<compile_context>
chip_gen: v7x
topology: tpu7x:2x2x1
jax: 0.10.2.dev20260603
libtpu: 0.0.44.dev20260713+nightly
codegen_flags: <defaults>
</compile_context>

<pallas_src>
import functools

import jax
import jax.numpy as jnp
from jax import lax
from jax.experimental import pallas as pl
from jax.experimental.pallas import tpu as pltpu
from jax.experimental.pallas import tpu_sc as plsc

B = 256
F = 128
N = 100000
L = 16
R = 16
RW = 8


def _body(user_h, item_h, eu_h, ei_h, ub_h, ib_h, b_h, out_h,
          idx_u, idx_i, z_idx, eu_v, ei_v, ub_v, ib_v, b_v,
          s_loc, acc_t, s_full, rb_v, out_loc, s_sh, sem, gsem):
    cid = lax.axis_index("c")
    sid = lax.axis_index("s")
    base = sid * R

    z_idx[...] = jnp.zeros((L,), jnp.int32)
    ci = pltpu.async_copy(user_h.at[pl.ds(base, R)], idx_u, sem)
    cj = pltpu.async_copy(item_h.at[pl.ds(base, R)], idx_i, sem)
    ci.wait()
    cj.wait()
    c1 = pltpu.async_copy(eu_h.at[idx_u], eu_v, gsem)
    c2 = pltpu.async_copy(ei_h.at[idx_i], ei_v, gsem)
    cb = pltpu.async_copy(b_h.at[z_idx], b_v, sem)
    c3 = pltpu.async_copy(ub_h.at[idx_u], ub_v, gsem)
    c4 = pltpu.async_copy(ib_h.at[idx_i], ib_v, gsem)
    c1.wait()
    c2.wait()

    lane = lax.iota(jnp.int32, L)
    zero16 = jnp.zeros((L,), jnp.int32)

    def fm_row(r, carry):
        acc = eu_v[r, pl.ds(0, L)] * ei_v[r, pl.ds(0, L)]
        for j in range(1, F // L):
            acc = acc + eu_v[r, pl.ds(j * L, L)] * ei_v[r, pl.ds(j * L, L)]
        acc_t[r, :] = acc
        return carry

    lax.fori_loop(0, R, fm_row, 0, unroll=False)

    def red_col(j, s):
        return s + plsc.load_gather(acc_t, [lane, jnp.full((L,), j, jnp.int32)])

    s_vec = lax.fori_loop(
        1, L, red_col, plsc.load_gather(acc_t, [lane, zero16]), unroll=False)
    cb.wait()
    s_loc[...] = s_vec + b_v[...]
    c3.wait()
    c4.wait()
    rb_v[...] = ub_v[...] + ib_v[...]

    pltpu.sync_copy(s_loc, s_sh.at[pl.ds(base, R)])
    plsc.subcore_barrier()
    pltpu.sync_copy(s_sh, s_full)

    row0 = RW * cid

    def asm_row(r, carry):
        rr = row0 + r
        rb = plsc.load_gather(rb_v, [jnp.full((L,), rr, jnp.int32)])

        def asm_chunk(j, c2_):
            off = pl.multiple_of(j * L, L)
            s_lo = s_full[pl.ds(off, L)]
            s_hi = s_full[pl.ds(F + off, L)]
            out_loc[pl.ds(r * B + off, L)] = (
                eu_v[rr, pl.ds(off, L)] + (s_lo + rb))
            out_loc[pl.ds(r * B + F + off, L)] = (
                ei_v[rr, pl.ds(off, L)] + (s_hi + rb))
            return c2_

        lax.fori_loop(0, F // L, asm_chunk, 0, unroll=False)
        return carry

    lax.fori_loop(0, RW, asm_row, 0, unroll=False)

    pltpu.sync_copy(out_loc, out_h.at[pl.ds((base + RW * cid) * B, RW * B)])


def kernel(user, item, embed_user, embed_item, u_bias, i_bias, bias_):
    mesh = plsc.VectorSubcoreMesh(core_axis_name="c", subcore_axis_name="s")
    run = functools.partial(
        pl.kernel,
        mesh=mesh,
        compiler_params=pltpu.CompilerParams(
            needs_layout_passes=False,
            disable_bounds_checks=True,
            disable_semaphore_checks=True,
        ),
        out_type=jax.ShapeDtypeStruct((B * B,), jnp.float32),
        scratch_types=[
            pltpu.VMEM((R,), jnp.int32),
            pltpu.VMEM((R,), jnp.int32),
            pltpu.VMEM((L,), jnp.int32),
            pltpu.VMEM((R, F), jnp.float32),
            pltpu.VMEM((R, F), jnp.float32),
            pltpu.VMEM((R,), jnp.float32),
            pltpu.VMEM((R,), jnp.float32),
            pltpu.VMEM((L,), jnp.float32),
            pltpu.VMEM((R,), jnp.float32),
            pltpu.VMEM((R, L), jnp.float32),
            pltpu.VMEM((B,), jnp.float32),
            pltpu.VMEM((R,), jnp.float32),
            pltpu.VMEM((RW * B,), jnp.float32),
            pltpu.VMEM_SHARED((B,), jnp.float32),
            pltpu.SemaphoreType.DMA,
            pltpu.SemaphoreType.DMA,
        ],
    )(_body)
    return run(user, item, embed_user, embed_item,
               u_bias.reshape(-1), i_bias.reshape(-1), bias_)

# --- scband reference (transcript-rebuilt; emitter-appended) ---
"""Pipeline reference for scband-point-deep-fm-84559316124406 (READ-ONLY COPY).

The authoritative reference and input builder live on the scoring server;
editing this copy changes nothing except your own understanding.
"""

import jax, jax.numpy as jnp
import numpy as np

USER_NUM = 100000
ITEM_NUM = 100000
FACTORS = 128
BATCH = 256


def setup_inputs(seed: int = 0) -> dict:
    key = jax.random.key(seed)
    ks = jax.random.split(key, 7)
    user = jax.random.randint(ks[0], (BATCH,), 0, USER_NUM, dtype=jnp.int32)
    item = jax.random.randint(ks[1], (BATCH,), 0, ITEM_NUM, dtype=jnp.int32)
    embed_user = 0.01 * jax.random.normal(ks[2], (USER_NUM, FACTORS), dtype=jnp.float32)
    embed_item = 0.01 * jax.random.normal(ks[3], (ITEM_NUM, FACTORS), dtype=jnp.float32)
    u_bias = 0.01 * jax.random.normal(ks[4], (USER_NUM, 1), dtype=jnp.float32)
    i_bias = 0.01 * jax.random.normal(ks[5], (ITEM_NUM, 1), dtype=jnp.float32)
    bias_ = jnp.zeros((1,), dtype=jnp.float32)
    return {
        "user": user,
        "item": item,
        "embed_user": embed_user,
        "embed_item": embed_item,
        "u_bias": u_bias,
        "i_bias": i_bias,
        "bias_": bias_,
    }


def reference(user, item, embed_user, embed_item, u_bias, i_bias, bias_):
    # embedding lookups
    eu = jnp.take(embed_user, user, axis=0)            # [B, F]
    ei = jnp.take(embed_item, item, axis=0)            # [B, F]
    fm = eu * ei                                       # [B, F]
    # fm_layers: batch_norm=False, dropout p=0.0 (eval) -> identity
    y_fm = jnp.sum(fm, axis=-1)                        # [B]
    # faithful to torch broadcasting: [B] + [B,1] -> [B,B]
    y_fm = y_fm + jnp.take(u_bias, user, axis=0) + jnp.take(i_bias, item, axis=0) + bias_
    # num_layers == 0 -> deep_layers is identity; the `if self.num_layers:` branch is skipped
    y_deep = jnp.concatenate([eu, ei], axis=-1)        # [B, 2F] == [B, B] since B == 2*F
    pred = y_fm + y_deep                               # [B, B]
    return pred.reshape(-1)

if __name__ == "__main__":
    import jax
    _d = setup_inputs()
    print(jax.jit(kernel)(*tuple(_d.values())))

</pallas_src>

<mosaic_0001>
#map = affine_map<(d0, d1) -> (0)>
#map1 = affine_map<(d0, d1) -> (0, 0)>
module attributes {stable_mosaic.version = 14 : i64} {
  func.func @_body(%arg0: i32, %arg1: i32, %arg2: memref<256xi32, #tpu.memory_space<hbm>>, %arg3: memref<256xi32, #tpu.memory_space<hbm>>, %arg4: memref<100000x128xf32, #tpu.memory_space<hbm>>, %arg5: memref<100000x128xf32, #tpu.memory_space<hbm>>, %arg6: memref<100000xf32, #tpu.memory_space<hbm>>, %arg7: memref<100000xf32, #tpu.memory_space<hbm>>, %arg8: memref<1xf32, #tpu.memory_space<hbm>>, %arg9: memref<65536xf32, #tpu.memory_space<hbm>>, %arg10: memref<16xi32, #tpu.memory_space<vmem>>, %arg11: memref<16xi32, #tpu.memory_space<vmem>>, %arg12: memref<16xi32, #tpu.memory_space<vmem>>, %arg13: memref<16x128xf32, #tpu.memory_space<vmem>>, %arg14: memref<16x128xf32, #tpu.memory_space<vmem>>, %arg15: memref<16xf32, #tpu.memory_space<vmem>>, %arg16: memref<16xf32, #tpu.memory_space<vmem>>, %arg17: memref<16xf32, #tpu.memory_space<vmem>>, %arg18: memref<16xf32, #tpu.memory_space<vmem>>, %arg19: memref<16x16xf32, #tpu.memory_space<vmem>>, %arg20: memref<256xf32, #tpu.memory_space<vmem>>, %arg21: memref<16xf32, #tpu.memory_space<vmem>>, %arg22: memref<2048xf32, #tpu.memory_space<vmem>>, %arg23: memref<256xf32, #tpu.memory_space<vmem_shared>>, %arg24: memref<!tpu.dma_semaphore, #tpu.memory_space<semaphore_mem>>, %arg25: memref<!tpu.dma_semaphore, #tpu.memory_space<semaphore_mem>>) attributes {dimension_semantics = [#tpu.dimension_semantics<core_parallel>, #tpu.dimension_semantics<subcore_parallel>], iteration_bounds = array<i64: 2, 16>, scalar_prefetch = 0 : i64, scratch_operands = 16 : i64, tpu.core_type = #tpu.core_type<sc_vector_subcore>, window_params = [{transform_indices = #map}, {transform_indices = #map}, {transform_indices = #map1}, {transform_indices = #map1}, {transform_indices = #map}, {transform_indices = #map}, {transform_indices = #map}, {transform_indices = #map}]} {
    %mul3A = arith.constant 16 : i32
    %mul3A_0 = arith.muli %arg1, %mul3A : i32
    %broadcast_in_dim3A = arith.constant 0 : i32
    %broadcast_in_dim3A_1 = vector.broadcast %broadcast_in_dim3A : i32 to vector<16xi32>
    %swap3A = arith.constant 0 : index
    %swap3A_2 = tpu.vector_load %arg12[%swap3A] {strides = array<i32>} : memref<16xi32, #tpu.memory_space<vmem>>, vector<16xi32>,
    tpu.vector_store %arg12[%swap3A], %broadcast_in_dim3A_1 {strides = array<i32>} : memref<16xi32, #tpu.memory_space<vmem>>, vector<16xi32>,
    %dma_start3A = tpu.memref_slice %arg2[%mul3A_0] : memref<256xi32, #tpu.memory_space<hbm>> -> memref<16xi32, #tpu.memory_space<hbm>>
    %dma_start3A_3 = tpu.memref_slice %arg2[%mul3A_0] : memref<256xi32, #tpu.memory_space<hbm>> -> memref<16xi32, #tpu.memory_space<hbm>>
    tpu.enqueue_dma source(%dma_start3A_3 : memref<16xi32, #tpu.memory_space<hbm>>) target(%arg10 : memref<16xi32, #tpu.memory_space<vmem>>) target_semaphore(%arg24 : memref<!tpu.dma_semaphore, #tpu.memory_space<semaphore_mem>>)
    %dma_start3A_4 = tpu.memref_slice %arg3[%mul3A_0] : memref<256xi32, #tpu.memory_space<hbm>> -> memref<16xi32, #tpu.memory_space<hbm>>
    %dma_start3A_5 = tpu.memref_slice %arg3[%mul3A_0] : memref<256xi32, #tpu.memory_space<hbm>> -> memref<16xi32, #tpu.memory_space<hbm>>
    tpu.enqueue_dma source(%dma_start3A_5 : memref<16xi32, #tpu.memory_space<hbm>>) target(%arg11 : memref<16xi32, #tpu.memory_space<vmem>>) target_semaphore(%arg24 : memref<!tpu.dma_semaphore, #tpu.memory_space<semaphore_mem>>)
    %dma_wait3A = tpu.memref_slice %arg2[%mul3A_0] : memref<256xi32, #tpu.memory_space<hbm>> -> memref<16xi32, #tpu.memory_space<hbm>>
    %dma_wait3A_6 = tpu.memref_slice %arg2[%mul3A_0] : memref<256xi32, #tpu.memory_space<hbm>> -> memref<16xi32, #tpu.memory_space<hbm>>
    tpu.wait_dma2 semaphore(%arg24 : memref<!tpu.dma_semaphore, #tpu.memory_space<semaphore_mem>>) src(%dma_wait3A_6 : memref<16xi32, #tpu.memory_space<hbm>>) dst(%arg10 : memref<16xi32, #tpu.memory_space<vmem>>)
    %dma_wait3A_7 = tpu.memref_slice %arg3[%mul3A_0] : memref<256xi32, #tpu.memory_space<hbm>> -> memref<16xi32, #tpu.memory_space<hbm>>
    %dma_wait3A_8 = tpu.memref_slice %arg3[%mul3A_0] : memref<256xi32, #tpu.memory_space<hbm>> -> memref<16xi32, #tpu.memory_space<hbm>>
    tpu.wait_dma2 semaphore(%arg24 : memref<!tpu.dma_semaphore, #tpu.memory_space<semaphore_mem>>) src(%dma_wait3A_8 : memref<16xi32, #tpu.memory_space<hbm>>) dst(%arg11 : memref<16xi32, #tpu.memory_space<vmem>>)
    %dma_start3A_9 = arith.constant 0 : i32
    %dma_start3A_10 = arith.constant 0 : i32
    %dma_start3A_11 = tpu.memref_slice %arg4[%dma_start3A_9, %dma_start3A_10] : memref<100000x128xf32, #tpu.memory_space<hbm>> -> memref<100000x128xf32, #tpu.memory_space<hbm>>
    tpu.enqueue_indirect_dma source(%dma_start3A_11 : memref<100000x128xf32, #tpu.memory_space<hbm>>) target(%arg13 : memref<16x128xf32, #tpu.memory_space<vmem>>) offsets(%arg10 : memref<16xi32, #tpu.memory_space<vmem>>) semaphore(%arg25 : memref<!tpu.dma_semaphore, #tpu.memory_space<semaphore_mem>>)
    %dma_start3A_12 = arith.constant 0 : i32
    %dma_start3A_13 = arith.constant 0 : i32
    %dma_start3A_14 = tpu.memref_slice %arg5[%dma_start3A_12, %dma_start3A_13] : memref<100000x128xf32, #tpu.memory_space<hbm>> -> memref<100000x128xf32, #tpu.memory_space<hbm>>
    tpu.enqueue_indirect_dma source(%dma_start3A_14 : memref<100000x128xf32, #tpu.memory_space<hbm>>) target(%arg14 : memref<16x128xf32, #tpu.memory_space<vmem>>) offsets(%arg11 : memref<16xi32, #tpu.memory_space<vmem>>) semaphore(%arg25 : memref<!tpu.dma_semaphore, #tpu.memory_space<semaphore_mem>>)
    %dma_start3A_15 = arith.constant 0 : i32
    %dma_start3A_16 = tpu.memref_slice %arg8[%dma_start3A_15] : memref<1xf32, #tpu.memory_space<hbm>> -> memref<1xf32, #tpu.memory_space<hbm>>
    tpu.enqueue_indirect_dma source(%dma_start3A_16 : memref<1xf32, #tpu.memory_space<hbm>>) target(%arg17 : memref<16xf32, #tpu.memory_space<vmem>>) offsets(%arg12 : memref<16xi32, #tpu.memory_space<vmem>>) semaphore(%arg24 : memref<!tpu.dma_semaphore, #tpu.memory_space<semaphore_mem>>)
    %dma_start3A_17 = arith.constant 0 : i32
    %dma_start3A_18 = tpu.memref_slice %arg6[%dma_start3A_17] : memref<100000xf32, #tpu.memory_space<hbm>> -> memref<100000xf32, #tpu.memory_space<hbm>>
    tpu.enqueue_indirect_dma source(%dma_start3A_18 : memref<100000xf32, #tpu.memory_space<hbm>>) target(%arg15 : memref<16xf32, #tpu.memory_space<vmem>>) offsets(%arg10 : memref<16xi32, #tpu.memory_space<vmem>>) semaphore(%arg25 : memref<!tpu.dma_semaphore, #tpu.memory_space<semaphore_mem>>)
    %dma_start3A_19 = arith.constant 0 : i32
    %dma_start3A_20 = tpu.memref_slice %arg7[%dma_start3A_19] : memref<100000xf32, #tpu.memory_space<hbm>> -> memref<100000xf32, #tpu.memory_space<hbm>>
    tpu.enqueue_indirect_dma source(%dma_start3A_20 : memref<100000xf32, #tpu.memory_space<hbm>>) target(%arg16 : memref<16xf32, #tpu.memory_space<vmem>>) offsets(%arg11 : memref<16xi32, #tpu.memory_space<vmem>>) semaphore(%arg25 : memref<!tpu.dma_semaphore, #tpu.memory_space<semaphore_mem>>)
    %dma_wait3A_21 = arith.constant 0 : i32
    %dma_wait3A_22 = arith.constant 0 : i32
    %dma_wait3A_23 = tpu.memref_slice %arg4[%dma_wait3A_21, %dma_wait3A_22] : memref<100000x128xf32, #tpu.memory_space<hbm>> -> memref<100000x128xf32, #tpu.memory_space<hbm>>
    tpu.wait_indirect_dma semaphore(%arg25 : memref<!tpu.dma_semaphore, #tpu.memory_space<semaphore_mem>>) src(%dma_wait3A_23 : memref<100000x128xf32, #tpu.memory_space<hbm>>) dst(%arg13 : memref<16x128xf32, #tpu.memory_space<vmem>>)
    %dma_wait3A_24 = arith.constant 0 : i32
    %dma_wait3A_25 = arith.constant 0 : i32
    %dma_wait3A_26 = tpu.memref_slice %arg5[%dma_wait3A_24, %dma_wait3A_25] : memref<100000x128xf32, #tpu.memory_space<hbm>> -> memref<100000x128xf32, #tpu.memory_space<hbm>>
    tpu.wait_indirect_dma semaphore(%arg25 : memref<!tpu.dma_semaphore, #tpu.memory_space<semaphore_mem>>) src(%dma_wait3A_26 : memref<100000x128xf32, #tpu.memory_space<hbm>>) dst(%arg14 : memref<16x128xf32, #tpu.memory_space<vmem>>)
    %iota3A = tpu.iota {dimensions = array<i32: 0>} : vector<16xi32>
    %broadcast_in_dim3A_27 = arith.constant 0 : i32
    %broadcast_in_dim3A_28 = vector.broadcast %broadcast_in_dim3A_27 : i32 to vector<16xi32>
    %scan3A = arith.constant 0 : i32
    %scan3A_29 = arith.constant 0 : i32
    %scan3A_30 = arith.constant 16 : i32
    %scan3A_31 = arith.addi %scan3A_29, %scan3A_30 : i32
    %scan3A_32 = arith.constant 1 : i32
    scf.for %scan3A_69 = %scan3A_29 to %scan3A_31 step %scan3A_32  : i32 {
      %get3A_70 = arith.index_cast %scan3A_69 : i32 to index
      %get3A_71 = arith.constant 0 : index
      %get3A_72 = tpu.vector_load %arg13[%get3A_70, %get3A_71] {strides = array<i32>} : memref<16x128xf32, #tpu.memory_space<vmem>>, vector<16xf32>,
      %get3A_73 = arith.index_cast %scan3A_69 : i32 to index
      %get3A_74 = arith.constant 0 : index
      %get3A_75 = tpu.vector_load %arg14[%get3A_73, %get3A_74] {strides = array<i32>} : memref<16x128xf32, #tpu.memory_space<vmem>>, vector<16xf32>,
      %mul3A_76 = arith.mulf %get3A_72, %get3A_75 : vector<16xf32>
      %get3A_77 = arith.index_cast %scan3A_69 : i32 to index
      %get3A_78 = arith.constant 16 : index
      %get3A_79 = tpu.vector_load %arg13[%get3A_77, %get3A_78] {strides = array<i32>} : memref<16x128xf32, #tpu.memory_space<vmem>>, vector<16xf32>,
      %get3A_80 = arith.index_cast %scan3A_69 : i32 to index
      %get3A_81 = arith.constant 16 : index
      %get3A_82 = tpu.vector_load %arg14[%get3A_80, %get3A_81] {strides = array<i32>} : memref<16x128xf32, #tpu.memory_space<vmem>>, vector<16xf32>,
      %mul3A_83 = arith.mulf %get3A_79, %get3A_82 : vector<16xf32>
      %add3A_84 = arith.addf %mul3A_76, %mul3A_83 : vector<16xf32>
      %get3A_85 = arith.index_cast %scan3A_69 : i32 to index
      %get3A_86 = arith.constant 32 : index
      %get3A_87 = tpu.vector_load %arg13[%get3A_85, %get3A_86] {strides = array<i32>} : memref<16x128xf32, #tpu.memory_space<vmem>>, vector<16xf32>,
      %get3A_88 = arith.index_cast %scan3A_69 : i32 to index
      %get3A_89 = arith.constant 32 : index
      %get3A_90 = tpu.vector_load %arg14[%get3A_88, %get3A_89] {strides = array<i32>} : memref<16x128xf32, #tpu.memory_space<vmem>>, vector<16xf32>,
      %mul3A_91 = arith.mulf %get3A_87, %get3A_90 : vector<16xf32>
      %add3A_92 = arith.addf %add3A_84, %mul3A_91 : vector<16xf32>
      %get3A_93 = arith.index_cast %scan3A_69 : i32 to index
      %get3A_94 = arith.constant 48 : index
      %get3A_95 = tpu.vector_load %arg13[%get3A_93, %get3A_94] {strides = array<i32>} : memref<16x128xf32, #tpu.memory_space<vmem>>, vector<16xf32>,
      %get3A_96 = arith.index_cast %scan3A_69 : i32 to index
      %get3A_97 = arith.constant 48 : index
      %get3A_98 = tpu.vector_load %arg14[%get3A_96, %get3A_97] {strides = array<i32>} : memref<16x128xf32, #tpu.memory_space<vmem>>, vector<16xf32>,
      %mul3A_99 = arith.mulf %get3A_95, %get3A_98 : vector<16xf32>
      %add3A_100 = arith.addf %add3A_92, %mul3A_99 : vector<16xf32>
      %get3A_101 = arith.index_cast %scan3A_69 : i32 to index
      %get3A_102 = arith.constant 64 : index
      %get3A_103 = tpu.vector_load %arg13[%get3A_101, %get3A_102] {strides = array<i32>} : memref<16x128xf32, #tpu.memory_space<vmem>>, vector<16xf32>,
      %get3A_104 = arith.index_cast %scan3A_69 : i32 to index
      %get3A_105 = arith.constant 64 : index
      %get3A_106 = tpu.vector_load %arg14[%get3A_104, %get3A_105] {strides = array<i32>} : memref<16x128xf32, #tpu.memory_space<vmem>>, vector<16xf32>,
      %mul3A_107 = arith.mulf %get3A_103, %get3A_106 : vector<16xf32>
      %add3A_108 = arith.addf %add3A_100, %mul3A_107 : vector<16xf32>
      %get3A_109 = arith.index_cast %scan3A_69 : i32 to index
      %get3A_110 = arith.constant 80 : index
      %get3A_111 = tpu.vector_load %arg13[%get3A_109, %get3A_110] {strides = array<i32>} : memref<16x128xf32, #tpu.memory_space<vmem>>, vector<16xf32>,
      %get3A_112 = arith.index_cast %scan3A_69 : i32 to index
      %get3A_113 = arith.constant 80 : index
      %get3A_114 = tpu.vector_load %arg14[%get3A_112, %get3A_113] {strides = array<i32>} : memref<16x128xf32, #tpu.memory_space<vmem>>, vector<16xf32>,
      %mul3A_115 = arith.mulf %get3A_111, %get3A_114 : vector<16xf32>
      %add3A_116 = arith.addf %add3A_108, %mul3A_115 : vector<16xf32>
      %get3A_117 = arith.index_cast %scan3A_69 : i32 to index
      %get3A_118 = arith.constant 96 : index
      %get3A_119 = tpu.vector_load %arg13[%get3A_117, %get3A_118] {strides = array<i32>} : memref<16x128xf32, #tpu.memory_space<vmem>>, vector<16xf32>,
      %get3A_120 = arith.index_cast %scan3A_69 : i32 to index
      %get3A_121 = arith.constant 96 : index
      %get3A_122 = tpu.vector_load %arg14[%get3A_120, %get3A_121] {strides = array<i32>} : memref<16x128xf32, #tpu.memory_space<vmem>>, vector<16xf32>,
      %mul3A_123 = arith.mulf %get3A_119, %get3A_122 : vector<16xf32>
      %add3A_124 = arith.addf %add3A_116, %mul3A_123 : vector<16xf32>
      %get3A_125 = arith.index_cast %scan3A_69 : i32 to index
      %get3A_126 = arith.constant 112 : index
      %get3A_127 = tpu.vector_load %arg13[%get3A_125, %get3A_126] {strides = array<i32>} : memref<16x128xf32, #tpu.memory_space<vmem>>, vector<16xf32>,
      %get3A_128 = arith.index_cast %scan3A_69 : i32 to index
      %get3A_129 = arith.constant 112 : index
      %get3A_130 = tpu.vector_load %arg14[%get3A_128, %get3A_129] {strides = array<i32>} : memref<16x128xf32, #tpu.memory_space<vmem>>, vector<16xf32>,
      %mul3A_131 = arith.mulf %get3A_127, %get3A_130 : vector<16xf32>
      %add3A_132 = arith.addf %add3A_124, %mul3A_131 : vector<16xf32>
      %swap3A_133 = arith.index_cast %scan3A_69 : i32 to index
      %swap3A_134 = arith.constant 0 : index
      %swap3A_135 = tpu.vector_load %arg19[%swap3A_133, %swap3A_134] {strides = array<i32>} : memref<16x16xf32, #tpu.memory_space<vmem>>, vector<16xf32>,
      tpu.vector_store %arg19[%swap3A_133, %swap3A_134], %add3A_132 {strides = array<i32>} : memref<16x16xf32, #tpu.memory_space<vmem>>, vector<16xf32>,
    }
    %scan3A_33 = arith.constant 16 : i32
    %gather3A = tpu.vector_load_idx %arg19[%iota3A, %broadcast_in_dim3A_28] : memref<16x16xf32, #tpu.memory_space<vmem>>[vector<16xi32>, vector<16xi32>], vector<16xf32>,
    %scan3A_34 = arith.constant 1 : i32
    %scan3A_35 = arith.constant 15 : i32
    %scan3A_36 = arith.addi %scan3A_34, %scan3A_35 : i32
    %scan3A_37 = arith.constant 1 : i32
    %scan3A_38 = scf.for %scan3A_69 = %scan3A_34 to %scan3A_36 step %scan3A_37 iter_args(%scan3A_70 = %gather3A) -> (vector<16xf32>)  : i32 {
      %broadcast_in_dim3A_71 = vector.broadcast %scan3A_69 : i32 to vector<16xi32>
      %gather3A_72 = tpu.vector_load_idx %arg19[%iota3A, %broadcast_in_dim3A_71] : memref<16x16xf32, #tpu.memory_space<vmem>>[vector<16xi32>, vector<16xi32>], vector<16xf32>,
      %add3A_73 = arith.addf %scan3A_70, %gather3A_72 : vector<16xf32>
      scf.yield %add3A_73 : vector<16xf32>
    }
    %scan3A_39 = arith.constant 15 : i32
    %dma_wait3A_40 = arith.constant 0 : i32
    %dma_wait3A_41 = tpu.memref_slice %arg8[%dma_wait3A_40] : memref<1xf32, #tpu.memory_space<hbm>> -> memref<1xf32, #tpu.memory_space<hbm>>
    tpu.wait_indirect_dma semaphore(%arg24 : memref<!tpu.dma_semaphore, #tpu.memory_space<semaphore_mem>>) src(%dma_wait3A_41 : memref<1xf32, #tpu.memory_space<hbm>>) dst(%arg17 : memref<16xf32, #tpu.memory_space<vmem>>)
    %get3A = arith.constant 0 : index
    %get3A_42 = tpu.vector_load %arg17[%get3A] {strides = array<i32>} : memref<16xf32, #tpu.memory_space<vmem>>, vector<16xf32>,
    %add3A = arith.addf %scan3A_38, %get3A_42 : vector<16xf32>
    %swap3A_43 = arith.constant 0 : index
    %swap3A_44 = tpu.vector_load %arg18[%swap3A_43] {strides = array<i32>} : memref<16xf32, #tpu.memory_space<vmem>>, vector<16xf32>,
    tpu.vector_store %arg18[%swap3A_43], %add3A {strides = array<i32>} : memref<16xf32, #tpu.memory_space<vmem>>, vector<16xf32>,
    %dma_wait3A_45 = arith.constant 0 : i32
    %dma_wait3A_46 = tpu.memref_slice %arg6[%dma_wait3A_45] : memref<100000xf32, #tpu.memory_space<hbm>> -> memref<100000xf32, #tpu.memory_space<hbm>>
    tpu.wait_indirect_dma semaphore(%arg25 : memref<!tpu.dma_semaphore, #tpu.memory_space<semaphore_mem>>) src(%dma_wait3A_46 : memref<100000xf32, #tpu.memory_space<hbm>>) dst(%arg15 : memref<16xf32, #tpu.memory_space<vmem>>)
    %dma_wait3A_47 = arith.constant 0 : i32
    %dma_wait3A_48 = tpu.memref_slice %arg7[%dma_wait3A_47] : memref<100000xf32, #tpu.memory_space<hbm>> -> memref<100000xf32, #tpu.memory_space<hbm>>
    tpu.wait_indirect_dma semaphore(%arg25 : memref<!tpu.dma_semaphore, #tpu.memory_space<semaphore_mem>>) src(%dma_wait3A_48 : memref<100000xf32, #tpu.memory_space<hbm>>) dst(%arg16 : memref<16xf32, #tpu.memory_space<vmem>>)
    %get3A_49 = arith.constant 0 : index
    %get3A_50 = tpu.vector_load %arg15[%get3A_49] {strides = array<i32>} : memref<16xf32, #tpu.memory_space<vmem>>, vector<16xf32>,
    %get3A_51 = arith.constant 0 : index
    %get3A_52 = tpu.vector_load %arg16[%get3A_51] {strides = array<i32>} : memref<16xf32, #tpu.memory_space<vmem>>, vector<16xf32>,
    %add3A_53 = arith.addf %get3A_50, %get3A_52 : vector<16xf32>
    %swap3A_54 = arith.constant 0 : index
    %swap3A_55 = tpu.vector_load %arg21[%swap3A_54] {strides = array<i32>} : memref<16xf32, #tpu.memory_space<vmem>>, vector<16xf32>,
    tpu.vector_store %arg21[%swap3A_54], %add3A_53 {strides = array<i32>} : memref<16xf32, #tpu.memory_space<vmem>>, vector<16xf32>,
    "tpu.region"() ({
      %run_scoped3A = tpu.sem_alloc : memref<!tpu.dma_semaphore, #tpu.memory_space<semaphore_mem>>
      %dma_start3A_69 = tpu.memref_slice %arg23[%mul3A_0] : memref<256xf32, #tpu.memory_space<vmem_shared>> -> memref<16xf32, #tpu.memory_space<vmem_shared>>
      %dma_start3A_70 = tpu.memref_slice %arg23[%mul3A_0] : memref<256xf32, #tpu.memory_space<vmem_shared>> -> memref<16xf32, #tpu.memory_space<vmem_shared>>
      tpu.enqueue_dma source(%arg18 : memref<16xf32, #tpu.memory_space<vmem>>) target(%dma_start3A_70 : memref<16xf32, #tpu.memory_space<vmem_shared>>) target_semaphore(%run_scoped3A : memref<!tpu.dma_semaphore, #tpu.memory_space<semaphore_mem>>)
      %dma_wait3A_71 = tpu.memref_slice %arg23[%mul3A_0] : memref<256xf32, #tpu.memory_space<vmem_shared>> -> memref<16xf32, #tpu.memory_space<vmem_shared>>
      %dma_wait3A_72 = tpu.memref_slice %arg23[%mul3A_0] : memref<256xf32, #tpu.memory_space<vmem_shared>> -> memref<16xf32, #tpu.memory_space<vmem_shared>>
      tpu.wait_dma2 semaphore(%run_scoped3A : memref<!tpu.dma_semaphore, #tpu.memory_space<semaphore_mem>>) src(%arg18 : memref<16xf32, #tpu.memory_space<vmem>>) dst(%dma_wait3A_72 : memref<16xf32, #tpu.memory_space<vmem_shared>>)
      tpu.yield
    }) : () -> ()
    %barrier3A = arith.constant 0 : index
    tpu.barrier barrier_id(%barrier3A)
    "tpu.region"() ({
      %run_scoped3A = tpu.sem_alloc : memref<!tpu.dma_semaphore, #tpu.memory_space<semaphore_mem>>
      tpu.enqueue_dma source(%arg23 : memref<256xf32, #tpu.memory_space<vmem_shared>>) target(%arg20 : memref<256xf32, #tpu.memory_space<vmem>>) target_semaphore(%run_scoped3A : memref<!tpu.dma_semaphore, #tpu.memory_space<semaphore_mem>>)
      tpu.wait_dma2 semaphore(%run_scoped3A : memref<!tpu.dma_semaphore, #tpu.memory_space<semaphore_mem>>) src(%arg23 : memref<256xf32, #tpu.memory_space<vmem_shared>>) dst(%arg20 : memref<256xf32, #tpu.memory_space<vmem>>)
      tpu.yield
    }) : () -> ()
    %mul3A_56 = arith.constant 8 : i32
    %mul3A_57 = arith.muli %mul3A_56, %arg0 : i32
    %scan3A_58 = arith.constant 0 : i32
    %scan3A_59 = arith.constant 0 : i32
    %scan3A_60 = arith.constant 8 : i32
    %scan3A_61 = arith.addi %scan3A_59, %scan3A_60 : i32
    %scan3A_62 = arith.constant 1 : i32
    scf.for %scan3A_69 = %scan3A_59 to %scan3A_61 step %scan3A_62  : i32 {
      %add3A_70 = arith.addi %mul3A_57, %scan3A_69 : i32
      %broadcast_in_dim3A_71 = vector.broadcast %add3A_70 : i32 to vector<16xi32>
      %gather3A_72 = tpu.vector_load_idx %arg21[%broadcast_in_dim3A_71] : memref<16xf32, #tpu.memory_space<vmem>>[vector<16xi32>], vector<16xf32>,
      %scan3A_73 = arith.constant 0 : i32
      %scan3A_74 = arith.constant 0 : i32
      %scan3A_75 = arith.constant 8 : i32
      %scan3A_76 = arith.addi %scan3A_74, %scan3A_75 : i32
      %scan3A_77 = arith.constant 1 : i32
      scf.for %scan3A_79 = %scan3A_74 to %scan3A_76 step %scan3A_77  : i32 {
        %mul3A_80 = arith.constant 16 : i32
        %mul3A_81 = arith.muli %scan3A_79, %mul3A_80 : i32
        %multiple_of3A = tpu.assume_multiple %mul3A_81, 16 : i32
        %get3A_82 = arith.index_cast %multiple_of3A : i32 to index
        %get3A_83 = tpu.vector_load %arg20[%get3A_82] {strides = array<i32>} : memref<256xf32, #tpu.memory_space<vmem>>, vector<16xf32>,
        %add3A_84 = arith.constant 128 : i32
        %add3A_85 = arith.addi %add3A_84, %multiple_of3A : i32
        %get3A_86 = arith.index_cast %add3A_85 : i32 to index
        %get3A_87 = tpu.vector_load %arg20[%get3A_86] {strides = array<i32>} : memref<256xf32, #tpu.memory_space<vmem>>, vector<16xf32>,
        %get3A_88 = arith.index_cast %add3A_70 : i32 to index
        %get3A_89 = arith.index_cast %multiple_of3A : i32 to index
        %get3A_90 = tpu.vector_load %arg13[%get3A_88, %get3A_89] {strides = array<i32>} : memref<16x128xf32, #tpu.memory_space<vmem>>, vector<16xf32>,
        %add3A_91 = arith.addf %get3A_83, %gather3A_72 : vector<16xf32>
        %add3A_92 = arith.addf %get3A_90, %add3A_91 : vector<16xf32>
        %mul3A_93 = arith.constant 256 : i32
        %mul3A_94 = arith.muli %scan3A_69, %mul3A_93 : i32
        %add3A_95 = arith.addi %mul3A_94, %multiple_of3A : i32
        %swap3A_96 = arith.index_cast %add3A_95 : i32 to index
        %swap3A_97 = tpu.vector_load %arg22[%swap3A_96] {strides = array<i32>} : memref<2048xf32, #tpu.memory_space<vmem>>, vector<16xf32>,
        tpu.vector_store %arg22[%swap3A_96], %add3A_92 {strides = array<i32>} : memref<2048xf32, #tpu.memory_space<vmem>>, vector<16xf32>,
        %get3A_98 = arith.index_cast %add3A_70 : i32 to index
        %get3A_99 = arith.index_cast %multiple_of3A : i32 to index
        %get3A_100 = tpu.vector_load %arg14[%get3A_98, %get3A_99] {strides = array<i32>} : memref<16x128xf32, #tpu.memory_space<vmem>>, vector<16xf32>,
        %add3A_101 = arith.addf %get3A_87, %gather3A_72 : vector<16xf32>
        %add3A_102 = arith.addf %get3A_100, %add3A_101 : vector<16xf32>
        %mul3A_103 = arith.constant 256 : i32
        %mul3A_104 = arith.muli %scan3A_69, %mul3A_103 : i32
        %add3A_105 = arith.constant 128 : i32
        %add3A_106 = arith.addi %mul3A_104, %add3A_105 : i32
        %add3A_107 = arith.addi %add3A_106, %multiple_of3A : i32
        %swap3A_108 = arith.index_cast %add3A_107 : i32 to index
        %swap3A_109 = tpu.vector_load %arg22[%swap3A_108] {strides = array<i32>} : memref<2048xf32, #tpu.memory_space<vmem>>, vector<16xf32>,
        tpu.vector_store %arg22[%swap3A_108], %add3A_102 {strides = array<i32>} : memref<2048xf32, #tpu.memory_space<vmem>>, vector<16xf32>,
      }
      %scan3A_78 = arith.constant 8 : i32
    }
    %scan3A_63 = arith.constant 8 : i32
    %mul3A_64 = arith.constant 8 : i32
    %mul3A_65 = arith.muli %mul3A_64, %arg0 : i32
    %add3A_66 = arith.addi %mul3A_0, %mul3A_65 : i32
    %mul3A_67 = arith.constant 256 : i32
    %mul3A_68 = arith.muli %add3A_66, %mul3A_67 : i32
    "tpu.region"() ({
      %run_scoped3A = tpu.sem_alloc : memref<!tpu.dma_semaphore, #tpu.memory_space<semaphore_mem>>
      %dma_start3A_69 = tpu.memref_slice %arg9[%mul3A_68] : memref<65536xf32, #tpu.memory_space<hbm>> -> memref<2048xf32, #tpu.memory_space<hbm>>
      %dma_start3A_70 = tpu.memref_slice %arg9[%mul3A_68] : memref<65536xf32, #tpu.memory_space<hbm>> -> memref<2048xf32, #tpu.memory_space<hbm>>
      tpu.enqueue_dma source(%arg22 : memref<2048xf32, #tpu.memory_space<vmem>>) target(%dma_start3A_70 : memref<2048xf32, #tpu.memory_space<hbm>>) target_semaphore(%run_scoped3A : memref<!tpu.dma_semaphore, #tpu.memory_space<semaphore_mem>>)
      %dma_wait3A_71 = tpu.memref_slice %arg9[%mul3A_68] : memref<65536xf32, #tpu.memory_space<hbm>> -> memref<2048xf32, #tpu.memory_space<hbm>>
      %dma_wait3A_72 = tpu.memref_slice %arg9[%mul3A_68] : memref<65536xf32, #tpu.memory_space<hbm>> -> memref<2048xf32, #tpu.memory_space<hbm>>
      tpu.wait_dma2 semaphore(%run_scoped3A : memref<!tpu.dma_semaphore, #tpu.memory_space<semaphore_mem>>) src(%arg22 : memref<2048xf32, #tpu.memory_space<vmem>>) dst(%dma_wait3A_72 : memref<2048xf32, #tpu.memory_space<hbm>>)
      tpu.yield
    }) : () -> ()
    return
  }
}

</mosaic_0001>

<sc_bundles>
// kernel: kernel.3.cloned.1.call-start
scs
__scs_entry_jumppad:
0x0: {  	(pc) =	sbr.rel $0x88, $3  }
0x1: {  	(tag) =	ssettag $0x0;
	lr =	simm.s32 $0x1  }
0x2: {  	[smem:$0x3F9A] =	sst lr;
	_ =	strace $0xD0000000  }
0x3: {  	_ = 	snop  }
0x4: {  	_ = 	snop  }
0x5: {  	_ = 	snop  }
0x6: {  	_ = 	snop  }
0x7: {  	_ = 	snop  }
__scs_overlays_trampoline_lowered:
0x8: {  	[smem:$0x3FA9] =	sst s0  }
0x9: {  	[smem:$0x3FAA] =	sst s1  }
0xa: {  	[smem:$0x3FAB] =	sst s2  }
0xb: {  	[smem:$0x3FAC] =	sst s3  }
0xc: {  	[smem:$0x3FAD] =	sst s4  }
0xd: {  	[smem:$0x3FAE] =	sst s5  }
0xe: {  	[smem:$0x3FAF] =	sst s6  }
0xf: {  	[smem:$0x3FB0] =	sst s7  }
0x10: {  	[smem:$0x3FB1] =	sst s8  }
0x11: {  	[smem:$0x3FB2] =	sst s9;
	s0 =	simm.s32 @!p0 $0x0  }
0x12: {  	s1 =	sld [smem:$0x3F98];
	s0 =	simm.s32 @p0 $0x1  }
0x13: {  	[smem:$0x3FB3] =	sst s0;
	s0 =	simm.s32 @!p1 $0x0  }
0x14: {  	s2 =	sld [smem:$0x3F97];
	s0 =	simm.s32 @p1 $0x1  }
0x15: {  	[smem:$0x3FB4] =	sst s0;
	s0 =	simm.s32 @!p2 $0x0  }
0x16: {  	s3 =	sld [smem:$0x3FDB];
	s0 =	simm.s32 @p2 $0x1  }
0x17: {  	s4 =	simm.s32 $0x1BF5;
	[smem:$0x3FB6] =	sst s0  }
0x18: {  	s0 =	sld [smem:$0x3F99];
	_ =	swait.ge [sflag:s4], $0x0  }
0x19: {  	s7 =	sld [smem:$0x3F9A]  }
0x1a: {  	s8 =	sadd.s32 $0xFFFFE003, lr  }
0x1b: {  	s9 =	sadd.s32 $0xFFFFFEF7, lr;
	s5 =	simm.s32 $0xFFFFFFFF;
	p2 =	slt.u32 s8, $0xFFFFF086  }
0x1c: {  	p1 =	slt.u32 s9, $0xF7A;
	s5 =	simm.s32 @!p2 $0x0  }
0x1d: {  	s5 =	simm.s32 @p1 $0x1;
	p0 =	seq.s32 s7, s2  }
0x1e: {  	s7 =	smul.u32 @!p0 $0xF7A, s2;
	p2 =	seq.s32 @!p0 s5, $0x0  }
0x1f: {  	s9 =	smul.u32 $0xF7A, s1;
	s8 =	simm.s32 @!p0 $0x1BF5;
	p2 =	por !p2, p0  }
0x20: {  	[sflag:s8] =	ssyncset.s32 @!p0 $0xFFFFF086;
	s6 =	sadd.s32 @!p0 s3, s7;
	s7 =	simm.s32 @!p0 $0x108  }
0x21: {  	s3 =	sadd.s32 s3, s9;
	s6 =	sadd.s32 @!p0 $0x88, s6;
	s7 =	simm.s32 @p2 $0x1082  }
0x22: {  	[simem:s7], [sflag:s8] =	dma.local @!p0 [hbm:s6], $0xF7A  }
0x23: {  	s9 =	sor.u32 $0xD0000000, s2;
	s6 =	simm.s32 $0x108;
	_ =	swait.ge @!p0 [sflag:s8], $0x0  }
0x24: {  	s3 =	sadd.s32 $0x88, s3;
	s6 =	simm.s32 @!p1 $0x1082;
	[sflag:s4] =	ssyncset.s32 $0xFFFFF086  }
0x25: {  	[simem:s6], [sflag:s4] =	dma.local [hbm:s3], $0xF7A  }
0x26: {  	[smem:$0x3F9A] =	sst s1;
	(tag) =	ssettag s2;
	_ =	strace s9  }
0x27: {  	s1 =	sld [smem:$0x3FAA]  }
0x28: {  	s2 =	sld [smem:$0x3FAB]  }
0x29: {  	s4 =	sld [smem:$0x3FAD]  }
0x2a: {  	p0 =	seq.s32 s5, $0x0;
	s5 =	sld [smem:$0x3FAE]  }
0x2b: {  	s6 =	sld [smem:$0x3FAF]  }
0x2c: {  	s7 =	sld [smem:$0x3FB0]  }
0x2d: {  	s3 =	simm.s32 $0x108;
	s8 =	sld [smem:$0x3FB1]  }
0x2e: {  	s3 =	simm.s32 @!p0 $0x1082;
	s9 =	sld [smem:$0x3FB2]  }
0x2f: {  	lr =	sadd.s32 s0, s3;
	s0 =	sld [smem:$0x3FA9]  }
0x30: {  	s3 =	sld [smem:$0x3FAC]  }
0x31: {  	[smem:$0x3FB5] =	sst s10  }
0x32: {  	s10 =	sld [smem:$0x3FB3];
	_ =	sdelay $0x3  }
0x33: {  	p0 =	seq.s32 s10, $0x1;
	s10 =	sld [smem:$0x3FB5];
	_ =	sdelay $0x3  }
0x34: {  	[smem:$0x3FB5] =	sst s10  }
0x35: {  	s10 =	sld [smem:$0x3FB4];
	_ =	sdelay $0x3  }
0x36: {  	p1 =	seq.s32 s10, $0x1;
	s10 =	sld [smem:$0x3FB5];
	_ =	sdelay $0x3  }
0x37: {  	[smem:$0x3FB5] =	sst s10  }
0x38: {  	s10 =	sld [smem:$0x3FB6]  }
0x39: {  	_ = 	snop;
	(pc) =	sbr.ind lr, $3  }
0x3a: {  	_ = 	snop  }
0x3b: {  	_ = 	snop  }
0x3c: {  	p2 =	seq.s32 s10, $0x1;
	s10 =	sld [smem:$0x3FB5]  }
0x3d: {  	_ =	shalt  }
0x3e: {  	_ =	shalt  }
0x3f: {  	_ =	shalt  }
0x40: {  	_ =	shalt  }
0x41: {  	_ =	shalt  }
0x42: {  	_ =	shalt  }
0x43: {  	_ =	shalt  }
0x44: {  	_ =	shalt  }
0x45: {  	_ =	shalt  }
0x46: {  	_ =	shalt  }
0x47: {  	_ =	shalt  }
0x48: {  	_ =	shalt  }
0x49: {  	_ =	shalt  }
0x4a: {  	_ =	shalt  }
0x4b: {  	_ =	shalt  }
0x4c: {  	_ =	shalt  }
0x4d: {  	_ =	shalt  }
0x4e: {  	_ =	shalt  }
0x4f: {  	_ =	shalt  }
0x50: {  	_ =	shalt  }
0x51: {  	_ =	shalt  }
0x52: {  	_ =	shalt  }
0x53: {  	_ =	shalt  }
0x54: {  	_ =	shalt  }
0x55: {  	_ =	shalt  }
0x56: {  	_ =	shalt  }
0x57: {  	_ =	shalt  }
0x58: {  	_ =	shalt  }
0x59: {  	_ =	shalt  }
0x5a: {  	_ =	shalt  }
0x5b: {  	_ =	shalt  }
0x5c: {  	_ =	shalt  }
0x5d: {  	_ =	shalt  }
0x5e: {  	_ =	shalt  }
0x5f: {  	_ =	shalt  }
0x60: {  	_ =	shalt  }
0x61: {  	_ =	shalt  }
0x62: {  	_ =	shalt  }
0x63: {  	_ =	shalt  }
0x64: {  	_ =	shalt  }
0x65: {  	_ =	shalt  }
0x66: {  	_ =	shalt  }
0x67: {  	_ =	shalt  }
0x68: {  	_ =	shalt  }
0x69: {  	_ =	shalt  }
0x6a: {  	_ =	shalt  }
0x6b: {  	_ =	shalt  }
0x6c: {  	_ =	shalt  }
0x6d: {  	_ =	shalt  }
0x6e: {  	_ =	shalt  }
0x6f: {  	_ =	shalt  }
0x70: {  	_ =	shalt  }
0x71: {  	_ =	shalt  }
0x72: {  	_ =	shalt  }
0x73: {  	_ =	shalt  }
0x74: {  	_ =	shalt  }
0x75: {  	_ =	shalt  }
0x76: {  	_ =	shalt  }
0x77: {  	_ =	shalt  }
0x78: {  	_ =	shalt  }
0x79: {  	_ =	shalt  }
0x7a: {  	_ =	shalt  }
0x7b: {  	_ =	shalt  }
0x7c: {  	_ =	shalt  }
0x7d: {  	_ =	shalt  }
0x7e: {  	_ =	shalt  }
0x7f: {  	_ =	shalt  }
0x80: {  	_ =	shalt  }
0x81: {  	_ =	shalt  }
0x82: {  	_ =	shalt  }
0x83: {  	_ =	shalt  }
0x84: {  	_ =	shalt  }
0x85: {  	_ =	shalt  }
0x86: {  	_ =	shalt  }
0x87: {  	_ =	shalt  }
.Lfunc_end0:
.L_simem_size_0:
called_computation_lowered:
.L_overlay_start_0:
0x88: {  	s2 =	sld [smem:$0x3FD9]  }
0x89: {  	s3 =	sld [smem:$0x3FFE];
	_ =	sdelay $0x1  }
0x8a: {  	s1 =	srdreg.scid  }
0x8b: {  	s0 =	sand.u32 $0x1, s1  }
0x8c: {  	s17 =	sshll.u32 s0, $0xA;
	s2 =	sadd.s32 s3, s2  }
0x8d: {  	s2 =	sadd.s32 s2, s17  }
0x8e: {  	[smem:$0x3FC1] =	sst s2  }
0x8f: {  	_ = 	snop  }
0x90: {  	s2 =	sld [smem:$0x3FC9]  }
0x91: {  	s18 =	sld [smem:$0x3FC8]  }
0x92: {  	s4 =	sld [smem:$0x3FC7]  }
0x93: {  	s5 =	sld [smem:$0x3FC6]  }
0x94: {  	s6 =	sld [smem:$0x3FC3]  }
0x95: {  	s7 =	sld [smem:$0x3FD0];
	(tm) =	ssettm $0x1  }
0x96: {  	s8 =	sld [smem:$0x3FFB];
	_ =	sdelay $0x3  }
0x97: {  	_ =	strace s8  }
0x98: {  	s8 =	sld [smem:$0x3FFC];
	_ =	sdelay $0x3  }
0x99: {  	_ =	strace s8  }
0x9a: {  	s8 =	sld [smem:$0x3FFD];
	_ =	sdelay $0x3  }
0x9b: {  	_ =	strace s8  }
0x9c: {  	_ =	strace $0x8FFFFFFF  }
0x9d: {  	s19 =	sld [smem:$0x3FDB];
	_ =	sdelay $0x1  }
0x9e: {  	s9 =	simm.s32 $_scs_section_size  }
0x9f: {  	s10 =	simm.s32 $_size__tile_overlayer_lowered;
	s11 =	simm.s32 $_tile_overlayer_lowered  }
0xa0: {  	s22 =	simm.s32 $0x1BFF;
	s21 =	sshll.u32 s11, $0x1;
	s8 =	sadd.s32 s9, s19  }
0xa1: {  	s12 =	simm.s32 $0x0;
	s20 =	sshll.u32 s10, $0x1;
	s10 =	sadd.s32 s21, s8  }
0xa2: {  	[timem:s12], [sflag:s22] =	dma.local [hbm:s10], s20  }
0xa3: {  	_ =	swait.ge [sflag:s22], s20  }
0xa4: {  	s9 =	ssub.s32 $0x0, s20;
	[sflag:s22] =	ssyncset.done $0x0  }
0xa5: {  	[sflag:s22] =	ssyncadd.s32 s9;
	_ =	sdelay $0x1  }
0xa6: {  	s23 =	simm.s32 $0x1B8B  }
0xa7: {  	_ =	swait.ge [sflag:s23], $0x1  }
0xa8: {  	[sflag:s23] =	ssyncset.done $0x0  }
0xa9: {  	s25 =	simm.s32 $0x1B8E;
	s24 =	sld [smem:$0x3FFE];
	[sflag:s23] =	ssyncadd.s32 $0xFFFFFFFF  }
0xaa: {  	s26 =	simm.s32 $execute0_lowered;
	[smem:$0x3FD2] =	sst s25  }
0xab: {  	s10 =	sshll.u32 s26, $0x1;
	_ =	strace $0x80000046;
	[dreg:$0x1] =	wrdreg $0xFFFFFFFF  }
0xac: {  	s28 =	simm.s32 $_size_execute0_lowered;
	s8 =	sadd.s32 s8, s10;
	[dreg:$0x0] =	wrdreg $0x0  }
0xad: {  	s10 =	sshll.u32 s28, $0x1;
	[dreg:$0x2] =	wrdreg s8  }
0xae: {  	[dreg:$0x3] =	wrdreg s10  }
0xaf: {  	[dreg:$0x4] =	wrdreg $0xC0  }
0xb0: {  	_ =	task [dreg:s12], $0x5FFFF  }
0xb1: {  	[dreg:$0x1] =	wrdreg $0xFFFFFFFF  }
0xb2: {  	[dreg:$0x0] =	wrdreg $0x60  }
0xb3: {  	[dreg:$0x2] =	wrdreg s2  }
0xb4: {  	[dreg:$0x3] =	wrdreg s18  }
0xb5: {  	[dreg:$0x4] =	wrdreg s4  }
0xb6: {  	[dreg:$0x5] =	wrdreg s5  }
0xb7: {  	[dreg:$0x6] =	wrdreg s24  }
0xb8: {  	[dreg:$0x7] =	wrdreg s6  }
0xb9: {  	[dreg:$0x8] =	wrdreg s7  }
0xba: {  	[dreg:$0x9] =	wrdreg $0x25000  }
0xbb: {  	[dreg:$0xa] =	wrdreg $0x9  }
0xbc: {  	_ =	task.clear_ibuf [dreg:s12], $0xBFFFF;
	_ =	strace $0x90000046  }
0xbd: {  	s29 =	simm.s32 $0x9;
	_ =	strace $0x80000048  }
0xbe: {  	_ =	swait.ge [sflag:s29], $0x1  }
0xbf: {  	[sflag:s29] =	ssyncadd.s32 $0xFFFFFFFF  }
0xc0: {  	_ =	strace $0x90000048  }
0xc1: {  	_ =	sfence  }
0xc2: {  	s30 =	sld [smem:$0x0];
	_ =	sdelay $0x2  }
0xc3: {  	s31 =	sshll.u32 s1, $0xD;
	s1 =	sshrl.u32 s1, $0x2  }
0xc4: {  	s3 =	sand.u32 $0x4000, s31;
	s1 =	sadd.s32 s1, s30  }
0xc5: {  	s0 =	sor.u32 s3, s0;
	s1 =	sshll.u32 s1, $0x11  }
0xc6: {  	s0 =	sor.u32 s1, s0  }
0xc7: {  	s0 =	sadd.s32 $0x8F2B, s0  }
0xc8: {  	[sflag:s0] =	ssyncadd.remote.s32 $0x1  }
0xc9: {  	_ =	sfence.sel $0xFFFF  }
0xca: {  	[dreg:$0x0] =	wrdreg $0xFFFFFFFF;
	(pc) =	sbr.abs _section_cstart, $3  }
0xcb: {  	[dreg:$0x1] =	wrdreg $0xFFFFFFFF  }
0xcc: {  	_ =	task.clear_ibuf [dreg:s12], $0x2FFFF;
	_ =	strace $0x9FFFFFFF  }
0xcd: {  	(tm) =	ssettm $0x7FFFFFFF  }
tec
execute0_lowered:
.L_overlay_start_1:
0x0: {  	(tag) =	ssettag $0x1  }
0x1: {  	s0 =	rddreg [dreg:$0x0]  }
0x2: {  	s1 =	rddreg [dreg:$0x1]  }
0x3: {  	s5 =	rddreg [dreg:$0x4]  }
0x4: {  	s2 =	rddreg [dreg:$0x6]  }
0x5: {  	s12 =	rddreg [dreg:$0x7];
	s3 =	srdreg.scid  }
0x6: {  	s6 =	simm.s32 $0x0;
	s25 =	stileid.u32;
	s15 =	simm.s32 $0x80  }
0x7: {  	s16 =	simm.s32 $0x1;
	s17 =	simm.s32 $0x10;
	s18 =	simm.s32 $0x180  }
0x8: {  	s19 =	simm.s32 $0x980;
	s20 =	simm.s32 $0x100;
	s21 =	simm.s32 $0x1280  }
0x9: {  	s22 =	simm.s32 $0x1180;
	s23 =	simm.s32 $0x1200;
	s24 =	simm.s32 $0x2  }
0xa: {  	s28 =	simm.s32 $0x3;
	s29 =	simm.s32 $0x1B80;
	s30 =	simm.s32 $0x1C80  }
0xb: {  	s31 =	simm.s32 $0x1D00;
	s3 =	sand.u32 $0x1, s3;
	[smem:$0x7FF] =	sst s6  }
0xc: {  	s8 =	sadd.s32 $0x3200, s5;
	s26 =	sshll.u32 s25, $0x4;
	s11 =	sshll.u32 s25, $0x1  }
0xd: {  	s25 =	simm.s32 $0x1380;
	s4 =	ssub.s32 $0x2, s3;
	_ =	strace $0x80000047  }
0xe: {  	s9 =	sshll.u32 s3, $0x3;
	s10 =	sadd.s32 s0, s11;
	s11 =	sadd.s32 s1, s11  }
0xf: {  	s12 =	sadd.s32 s26, s12;
	s5 =	sshll.u32 s3, $0xA;
	s7 =	sshrl.u32 s4, $0x1  }
0x10: {  	s1 =	sor.u32 s9, s26;
	s26 =	simm.s32 $0x1300;
	s4 =	ssub.s32 s4, s7  }
0x11: {  	v3 =	vlaneseq.u32;
	v2 =	vimm.s32 $0x0;
	s0 =	sshll.u32 s1, $0x5;
	s7 =	sor.u32 $0x9C0, s5;
	s1 =	sor.u32 $0x1C0, s5  }
0x12: {  	v3 =	vmul.u32 $0x80, v3;
	s13 =	sadd.s32 s2, s0;
	s14 =	smax.u32 s4, $0x1;
	v0 =	vmov s1;
	v1 =	vmov s7;
	s1 =	simm.s32 $0x0  }
.LBB2_1:
0x13: {  	[tilespmem:$0x100] =	vst v2  }
0x14: {  	[tilespmem:s6], [sflag:$0x1] =	stream.linear.gather [hbm4b:s10+s6], $0x10, $0x38;
	[tilespmem:$0x2510] =	vst v63  }
0x15: {  	_ = 	snop  }
0x16: {  	[tilespmem:s15], [sflag:$0x1] =	stream.linear.gather [hbm4b:s11+s6], $0x10, $0x38;
	[tilespmem:$0x2510] =	vst v63  }
0x17: {  	_ =	swait.ge [sflag:s16], $0x10  }
0x18: {  	[sflag:s16] =	ssyncset.done $0x0  }
0x19: {  	[sflag:s16] =	ssyncadd.s32 $0xFFFFFFF0  }
0x1a: {  	_ =	swait.ge [sflag:s16], $0x10  }
0x1b: {  	[sflag:s16] =	ssyncset.done $0x0  }
0x1c: {  	[sflag:s16] =	ssyncadd.s32 $0xFFFFFFF0  }
0x1d: {  	s0 =	rddreg [dreg:$0x2]  }
0x1e: {  	[tilespmem:s18], [sflag:$0x2] =	stream.indirect.gather [hbm4b:s0+s17], $0x80, s6, s17, $0xb8;
	[tilespmem:$0x2510] =	vst v63  }
0x1f: {  	s4 =	rddreg [dreg:$0x3]  }
0x20: {  	[tilespmem:s19], [sflag:$0x2] =	stream.indirect.gather [hbm4b:s4+s17], $0x80, s15, s17, $0xb8;
	[tilespmem:$0x2510] =	vst v63  }
0x21: {  	s5 =	rddreg [dreg:$0x5]  }
0x22: {  	[tilespmem:s21], [sflag:$0x1] =	stream.indirect.gather [hbm4b:s5+s17], $0x1, s20, s17, $0xb8;
	[tilespmem:$0x2510] =	vst v63  }
0x23: {  	s7 =	rddreg [dreg:$0x4]  }
0x24: {  	[tilespmem:s22], [sflag:$0x2] =	stream.indirect.gather [hbm4b:s7+s17], $0x1, s6, s17, $0xb8;
	[tilespmem:$0x2510] =	vst v63  }
0x25: {  	_ = 	snop  }
0x26: {  	[tilespmem:s23], [sflag:$0x2] =	stream.indirect.gather [hbm4b:s8+s17], $0x1, s15, s17, $0xb8;
	[tilespmem:$0x2510] =	vst v63  }
0x27: {  	_ =	swait.ge [sflag:s24], $0x800  }
0x28: {  	[sflag:s24] =	ssyncset.done $0x0  }
0x29: {  	[sflag:s24] =	ssyncadd.s32 $0xFFFFF800  }
0x2a: {  	_ =	swait.ge [sflag:s24], $0x800  }
0x2b: {  	[sflag:s24] =	ssyncset.done $0x0  }
0x2c: {  	s0 =	simm.s32 $0x0;
	[sflag:s24] =	ssyncadd.s32 $0xFFFFF800  }
0x2d: {  	v4 =	vld [tilespmem:s0+$0x180]  }
0x2e: {  	v5 =	vld [tilespmem:s0+$0x980]  }
0x2f: {  	v6 =	vld [tilespmem:s0+$0x190]  }
0x30: {  	v7 =	vld [tilespmem:s0+$0x990]  }
0x31: {  	v8 =	vld [tilespmem:s0+$0x1A0]  }
0x32: {  	v9 =	vld [tilespmem:s0+$0x9A0]  }
0x33: {  	v10 =	vld [tilespmem:s0+$0x1B0]  }
0x34: {  	v11 =	vld [tilespmem:s0+$0x9B0]  }
0x35: {  	v4 =	vmul.f32 v5, v4;
	v5 =	vmul.f32 v7, v6;
	v6 =	vld [tilespmem:s0+$0x1C0]  }
0x36: {  	v7 =	vld [tilespmem:s0+$0x9C0]  }
0x37: {  	v12 =	vld [tilespmem:s0+$0x9D0];
	v4 =	vadd.f32 v5, v4;
	v5 =	vmul.f32 v9, v8  }
0x38: {  	v9 =	vld [tilespmem:s0+$0x1D0]  }
0x39: {  	v4 =	vadd.f32 v5, v4;
	v5 =	vmul.f32 v11, v10;
	v10 =	vld [tilespmem:s0+$0x1E0]  }
0x3a: {  	v11 =	vld [tilespmem:s0+$0x9E0]  }
0x3b: {  	v8 =	vld [tilespmem:s0+$0x9F0];
	v6 =	vmul.f32 v7, v6;
	v13 =	vadd.f32 v5, v4  }
0x3c: {  	s2 =	simm.s32 $0x80;
	v5 =	vld [tilespmem:s0+$0x1F0]  }
0x3d: {  	v7 =	vld [tilespmem:s2+$0x190];
	v9 =	vmul.f32 v12, v9;
	v13 =	vadd.f32 v6, v13  }
0x3e: {  	v4 =	vld [tilespmem:s2+$0x180]  }
0x3f: {  	s3 =	simm.s32 $0x400;
	v6 =	vld [tilespmem:s2+$0x980];
	v10 =	vmul.f32 v11, v10;
	v9 =	vadd.f32 v9, v13  }
.LBB2_2:
0x40: {  	p0 =	sne.s32 s3, $0x1E00;
	v11 =	vld [tilespmem:s2+$0x990]  }
0x41: {  	v12 =	vld [tilespmem:s2+$0x1A0];
	v9 =	vadd.f32 v10, v9;
	v5 =	vmul.f32 v8, v5  }
0x42: {  	v8 =	vld [tilespmem:s2+$0x9A0]  }
0x43: {  	v10 =	vld [tilespmem:s2+$0x1B0];
	v5 =	vadd.f32 v5, v9  }
0x44: {  	v9 =	vld [tilespmem:s2+$0x9B0]  }
0x45: {  	v4 =	vmul.f32 v6, v4;
	v6 =	vmul.f32 v11, v7;
	v7 =	vld [tilespmem:s2+$0x1C0];
	[tilespmem:s0+$0x1380] =	vst v5;
	s0 =	smov.u32 s2  }
0x46: {  	v5 =	vld [tilespmem:s0+$0x9C0]  }
0x47: {  	v4 =	vadd.f32 v6, v4;
	v6 =	vmul.f32 v8, v12;
	v11 =	vld [tilespmem:s0+$0x1D0]  }
0x48: {  	v12 =	vld [tilespmem:s0+$0x9D0]  }
0x49: {  	v4 =	vadd.f32 v6, v4;
	v6 =	vmul.f32 v9, v10;
	v10 =	vld [tilespmem:s0+$0x1E0]  }
0x4a: {  	v13 =	vld [tilespmem:s0+$0x9E0]  }
.Ltmp0:
0x4b: {  	v6 =	vadd.f32 v6, v4;
	v7 =	vmul.f32 v5, v7;
	v5 =	vld [tilespmem:s0+$0x1F0];
	(pc) =	sbr.rel @p0 .LBB2_2-.Ltmp0, $4  }
0x4c: {  	s2 =	sshra.s32 s3, $0x2;
	v8 =	vld [tilespmem:s0+$0x9F0]  }
0x4d: {  	v4 =	vld [tilespmem:s2+$0x180];
	v9 =	vadd.f32 v7, v6;
	v11 =	vmul.f32 v12, v11  }
0x4e: {  	v6 =	vld [tilespmem:s2+$0x980]  }
0x4f: {  	s3 =	sadd.s32 $0x200, s3;
	v7 =	vld [tilespmem:s2+$0x190];
	v9 =	vadd.f32 v11, v9;
	v10 =	vmul.f32 v13, v10  }
0x50: {  	v11 =	vld [tilespmem:s2+$0x990]  }
0x51: {  	v12 =	vld [tilespmem:s2+$0x1A0];
	v9 =	vadd.f32 v10, v9;
	v5 =	vmul.f32 v8, v5  }
0x52: {  	v8 =	vld [tilespmem:s2+$0x9A0]  }
0x53: {  	v59 =	vld [tilespmem:s2+$0x1B0];
	v5 =	vadd.f32 v5, v9  }
0x54: {  	v60 =	vld [tilespmem:s2+$0x9B0]  }
0x55: {  	v13 =	vld [tilespmem:s2+$0x1C0];
	v4 =	vmul.f32 v6, v4;
	v6 =	vmul.f32 v11, v7;
	[tilespmem:s0+$0x1380] =	vst v5  }
0x56: {  	v5 =	vld [tilespmem:s2+$0x9C0]  }
0x57: {  	v7 =	vld [tilespmem:s2+$0x1D0];
	v4 =	vadd.f32 v6, v4;
	v6 =	vmul.f32 v8, v12  }
0x58: {  	v8 =	vld [tilespmem:s2+$0x9D0]  }
0x59: {  	v61 =	vld [tilespmem:s2+$0x1E0];
	v4 =	vadd.f32 v6, v4;
	v6 =	vmul.f32 v60, v59  }
0x5a: {  	v62 =	vld [tilespmem:s2+$0x9E0]  }
0x5b: {  	v63 =	vld [tilespmem:s2+$0x9F0];
	v4 =	vadd.f32 v6, v4;
	v5 =	vmul.f32 v5, v13  }
0x5c: {  	v6 =	vld [tilespmem:s2+$0x1F0]  }
0x5d: {  	s5 =	simm.s32 $0x1;
	v4 =	vadd.f32 v5, v4;
	v5 =	vmul.f32 v8, v7  }
0x5e: {  	v7 =	vmov s5  }
0x5f: {  	v7 =	vand.u32 $0x7F, v7;
	v4 =	vadd.f32 v5, v4;
	v5 =	vmul.f32 v62, v61  }
0x60: {  	v7 =	vbroadcast v7, $0x0  }
0x61: {  	v4 =	vadd.f32 v5, v4;
	v5 =	vmul.f32 v63, v6  }
0x62: {  	s7 =	simm.s32 $0x2;
	v6 =	vor.u32 v3, v7  }
0x63: {  	v4 =	vadd.f32 v5, v4;
	v5 =	vmov s7  }
0x64: {  	v5 =	vand.u32 $0x7F, v5  }
0x65: {  	[tilespmem:s2+$0x1380] =	vst v4;
	v7 =	vbroadcast v5, $0x0  }
0x66: {  	v4 =	vld.idx.msk [tilespmem:v3+s25+$0x0], $0xffff  }
0x67: {  	s0 =	simm.s32 $0x3;
	v5 =	vld.idx.msk [tilespmem:v6+s25+$0x0], $0xffff;
	v6 =	vor.u32 v3, v7  }
.LBB2_4:
0x68: {  	p0 =	sne.s32 s0, $0xF  }
.Ltmp1:
0x69: {  	v7 =	vmov s0;
	s0 =	sadd.s32 $0x1, s0;
	(pc) =	sbr.rel @p0 .LBB2_4-.Ltmp1, $4  }
0x6a: {  	v7 =	vand.u32 $0x7F, v7  }
0x6b: {  	v7 =	vbroadcast v7, $0x0  }
0x6c: {  	v4 =	vadd.f32 v5, v4;
	v5 =	vld.idx.msk [tilespmem:v6+s25+$0x0], $0xffff  }
0x6d: {  	v6 =	vor.u32 v3, v7  }
0x6e: {  	_ =	sdelay $0x3  }
0x6f: {  	v6 =	vld.idx.msk [tilespmem:v6+s25+$0x0], $0xffff;
	_ =	swait.ge [sflag:s16], $0x10  }
0x70: {  	[sflag:s16] =	ssyncset.done $0x0  }
0x71: {  	[sflag:s16] =	ssyncadd.s32 $0xFFFFFFF0  }
0x72: {  	v7 =	vld [tilespmem:$0x1280]  }
0x73: {  	v4 =	vadd.f32 v5, v4;
	_ =	sdelay $0x1  }
0x74: {  	v4 =	vadd.f32 v6, v4;
	_ =	sdelay $0x1  }
0x75: {  	v4 =	vadd.f32 v7, v4;
	_ =	sdelay $0x1  }
0x76: {  	[tilespmem:$0x1300] =	vst v4  }
0x77: {  	_ =	swait.ge [sflag:s24], $0x10  }
0x78: {  	[sflag:s24] =	ssyncset.done $0x0  }
0x79: {  	[sflag:s24] =	ssyncadd.s32 $0xFFFFFFF0  }
0x7a: {  	_ =	swait.ge [sflag:s24], $0x10  }
0x7b: {  	[sflag:s24] =	ssyncset.done $0x0  }
0x7c: {  	[sflag:s24] =	ssyncadd.s32 $0xFFFFFFF0  }
0x7d: {  	v4 =	vld [tilespmem:$0x1180]  }
0x7e: {  	v5 =	vld [tilespmem:$0x1200];
	_ =	sdelay $0x4  }
0x7f: {  	v4 =	vadd.f32 v5, v4;
	_ =	sdelay $0x1  }
0x80: {  	[tilespmem:$0x1C80] =	vst v4  }
0x81: {  	[spmem:s12] =	stream.linear.scatter [tilespmem:s26], [sflag:$0x3], $0x10, $0x38;
	[tilespmem:$0x2510] =	vst v63  }
0x82: {  	_ =	swait.ge [sflag:s28], $0x10  }
0x83: {  	[sflag:s28] =	ssyncset.done $0x0  }
0x84: {  	[sflag:s28] =	ssyncadd.s32 $0xFFFFFFF0  }
0x85: {  	[bflag:$0x0] =	sbarrier.arrive $0xFFFF  }
0x86: {  	v4 =	vmov s9;
	s0 =	rddreg [dreg:$0x7]  }
0x87: {  	[tilespmem:s29], [sflag:$0x3] =	stream.linear.gather [spmem:s0], $0x100, $0x38;
	[tilespmem:$0x2510] =	vst v63  }
0x88: {  	_ =	swait.ge [sflag:s28], $0x100  }
0x89: {  	[sflag:s28] =	ssyncset.done $0x0  }
0x8a: {  	[sflag:s28] =	ssyncadd.s32 $0xFFFFFF00  }
0x8b: {  	v4 =	vld.idx.msk [tilespmem:v4+s30+$0x0], $0xffff  }
0x8c: {  	v5 =	vld [tilespmem:$0x1B80]  }
0x8d: {  	s5 =	simm.s32 $0x0  }
0x8e: {  	v6 =	vld.idx.msk [tilespmem:v0+s5+$0xFFFFFFC0 ss:$0x1], $0xffff;
	_ =	sdelay $0x2  }
0x8f: {  	v5 =	vadd.f32 v5, v4;
	_ =	sdelay $0x1  }
0x90: {  	v5 =	vadd.f32 v6, v5  }
0x91: {  	s7 =	simm.s32 $0x1D80;
	v6 =	vld [tilespmem:$0x1C00]  }
0x92: {  	[tilespmem:s7+$0xFFFFFF80] =	vst v5  }
0x93: {  	v5 =	vld.idx.msk [tilespmem:v1+s5+$0xFFFFFFC0 ss:$0x1], $0xffff;
	_ =	sdelay $0x2  }
0x94: {  	v6 =	vadd.f32 v6, v4;
	_ =	sdelay $0x1  }
0x95: {  	v5 =	vadd.f32 v5, v6;
	_ =	sdelay $0x1  }
0x96: {  	[tilespmem:s7+$0x0] =	vst v5  }
0x97: {  	v5 =	vld [tilespmem:$0x1B90];
	_ =	sdelay $0x1  }
0x98: {  	v6 =	vld.idx.msk [tilespmem:v0+s5+$0xFFFFFFD0 ss:$0x1], $0xffff;
	_ =	sdelay $0x2  }
0x99: {  	v5 =	vadd.f32 v5, v4;
	_ =	sdelay $0x1  }
0x9a: {  	v5 =	vadd.f32 v6, v5  }
0x9b: {  	v6 =	vld [tilespmem:$0x1C10]  }
0x9c: {  	[tilespmem:s7+$0xFFFFFF90] =	vst v5  }
0x9d: {  	v5 =	vld.idx.msk [tilespmem:v1+s5+$0xFFFFFFD0 ss:$0x1], $0xffff;
	_ =	sdelay $0x2  }
0x9e: {  	v6 =	vadd.f32 v6, v4;
	_ =	sdelay $0x1  }
0x9f: {  	v5 =	vadd.f32 v5, v6;
	_ =	sdelay $0x1  }
0xa0: {  	[tilespmem:s7+$0x10] =	vst v5  }
0xa1: {  	v5 =	vld [tilespmem:$0x1BA0];
	_ =	sdelay $0x1  }
0xa2: {  	v6 =	vld.idx.msk [tilespmem:v0+s5+$0xFFFFFFE0 ss:$0x1], $0xffff;
	_ =	sdelay $0x2  }
0xa3: {  	v5 =	vadd.f32 v5, v4;
	_ =	sdelay $0x1  }
0xa4: {  	v5 =	vadd.f32 v6, v5  }
0xa5: {  	v6 =	vld [tilespmem:$0x1C20]  }
0xa6: {  	[tilespmem:s7+$0xFFFFFFA0] =	vst v5  }
0xa7: {  	v5 =	vld.idx.msk [tilespmem:v1+s5+$0xFFFFFFE0 ss:$0x1], $0xffff;
	_ =	sdelay $0x2  }
0xa8: {  	v6 =	vadd.f32 v6, v4;
	_ =	sdelay $0x1  }
0xa9: {  	v5 =	vadd.f32 v5, v6;
	_ =	sdelay $0x1  }
0xaa: {  	[tilespmem:s7+$0x20] =	vst v5  }
0xab: {  	v5 =	vld [tilespmem:$0x1BB0];
	_ =	sdelay $0x1  }
0xac: {  	v6 =	vld.idx.msk [tilespmem:v0+s5+$0xFFFFFFF0 ss:$0x1], $0xffff;
	_ =	sdelay $0x2  }
0xad: {  	v5 =	vadd.f32 v5, v4;
	_ =	sdelay $0x1  }
0xae: {  	v5 =	vadd.f32 v6, v5  }
0xaf: {  	v6 =	vld [tilespmem:$0x1C30]  }
0xb0: {  	[tilespmem:s7+$0xFFFFFFB0] =	vst v5  }
0xb1: {  	v5 =	vld.idx.msk [tilespmem:v1+s5+$0xFFFFFFF0 ss:$0x1], $0xffff;
	_ =	sdelay $0x2  }
0xb2: {  	v6 =	vadd.f32 v6, v4;
	_ =	sdelay $0x1  }
0xb3: {  	v5 =	vadd.f32 v5, v6;
	_ =	sdelay $0x1  }
0xb4: {  	[tilespmem:s7+$0x30] =	vst v5  }
0xb5: {  	v5 =	vld [tilespmem:$0x1BC0];
	_ =	sdelay $0x1  }
0xb6: {  	v6 =	vld.idx.msk [tilespmem:v0+s5+$0x0 ss:$0x1], $0xffff;
	_ =	sdelay $0x2  }
0xb7: {  	v5 =	vadd.f32 v5, v4;
	_ =	sdelay $0x1  }
0xb8: {  	v5 =	vadd.f32 v6, v5  }
0xb9: {  	v6 =	vld [tilespmem:$0x1C40]  }
0xba: {  	[tilespmem:s7+$0xFFFFFFC0] =	vst v5  }
0xbb: {  	v5 =	vld.idx.msk [tilespmem:v1+s5+$0x0 ss:$0x1], $0xffff;
	_ =	sdelay $0x2  }
0xbc: {  	v6 =	vadd.f32 v6, v4;
	_ =	sdelay $0x1  }
0xbd: {  	v5 =	vadd.f32 v5, v6;
	_ =	sdelay $0x1  }
0xbe: {  	[tilespmem:s7+$0x40] =	vst v5  }
0xbf: {  	v5 =	vld [tilespmem:$0x1BD0];
	_ =	sdelay $0x1  }
0xc0: {  	v6 =	vld.idx.msk [tilespmem:v0+s5+$0x10 ss:$0x1], $0xffff;
	_ =	sdelay $0x2  }
0xc1: {  	v5 =	vadd.f32 v5, v4;
	_ =	sdelay $0x1  }
0xc2: {  	v5 =	vadd.f32 v6, v5  }
0xc3: {  	v6 =	vld [tilespmem:$0x1C50]  }
0xc4: {  	[tilespmem:s7+$0xFFFFFFD0] =	vst v5  }
0xc5: {  	v5 =	vld.idx.msk [tilespmem:v1+s5+$0x10 ss:$0x1], $0xffff;
	_ =	sdelay $0x2  }
0xc6: {  	v6 =	vadd.f32 v6, v4;
	_ =	sdelay $0x1  }
0xc7: {  	v5 =	vadd.f32 v5, v6;
	_ =	sdelay $0x1  }
0xc8: {  	[tilespmem:s7+$0x50] =	vst v5  }
0xc9: {  	v5 =	vld [tilespmem:$0x1BE0];
	_ =	sdelay $0x1  }
0xca: {  	v6 =	vld.idx.msk [tilespmem:v0+s5+$0x20 ss:$0x1], $0xffff;
	_ =	sdelay $0x2  }
0xcb: {  	v5 =	vadd.f32 v5, v4;
	_ =	sdelay $0x1  }
0xcc: {  	v5 =	vadd.f32 v6, v5  }
0xcd: {  	v6 =	vld [tilespmem:$0x1C60]  }
0xce: {  	[tilespmem:s7+$0xFFFFFFE0] =	vst v5  }
0xcf: {  	v5 =	vld.idx.msk [tilespmem:v1+s5+$0x20 ss:$0x1], $0xffff;
	_ =	sdelay $0x2  }
0xd0: {  	v6 =	vadd.f32 v6, v4;
	_ =	sdelay $0x1  }
0xd1: {  	v5 =	vadd.f32 v5, v6;
	_ =	sdelay $0x1  }
0xd2: {  	[tilespmem:s7+$0x60] =	vst v5  }
0xd3: {  	v5 =	vld [tilespmem:$0x1BF0];
	_ =	sdelay $0x1  }
0xd4: {  	v6 =	vld.idx.msk [tilespmem:v0+s5+$0x30 ss:$0x1], $0xffff;
	_ =	sdelay $0x2  }
0xd5: {  	v5 =	vadd.f32 v5, v4;
	_ =	sdelay $0x1  }
0xd6: {  	v5 =	vadd.f32 v6, v5  }
0xd7: {  	v6 =	vld [tilespmem:$0x1C70]  }
0xd8: {  	[tilespmem:s7+$0xFFFFFFF0] =	vst v5  }
0xd9: {  	v5 =	vld.idx.msk [tilespmem:v1+s5+$0x30 ss:$0x1], $0xffff;
	_ =	sdelay $0x1  }
0xda: {  	s2 =	sadd.s32 $0x1, s9  }
0xdb: {  	v6 =	vadd.f32 v6, v4;
	v4 =	vmov s2;
	_ =	sdelay $0x1  }
0xdc: {  	s4 =	simm.s32 $0x400;
	s0 =	simm.s32 $0x200;
	v5 =	vadd.f32 v5, v6  }
.LBB2_6:
0xdd: {  	p0 =	sne.s32 s4, $0xE00  }
0xde: {  	s5 =	smov.u32 s4;
	s4 =	sadd.s32 $0x200, s4;
	[tilespmem:s7+$0x70] =	vst v5;
	s7 =	sadd.s32 $0x100, s7  }
0xdf: {  	v4 =	vld.idx.msk [tilespmem:v4+s30+$0x0], $0xffff  }
0xe0: {  	s3 =	sshra.s32 s0, $0x2;
	s0 =	smov.u32 s5;
	v5 =	vld [tilespmem:$0x1B80]  }
0xe1: {  	v6 =	vld.idx.msk [tilespmem:v0+s3+$0xFFFFFFC0 ss:$0x1], $0xffff;
	_ =	sdelay $0x3  }
0xe2: {  	v5 =	vadd.f32 v5, v4;
	_ =	sdelay $0x1  }
0xe3: {  	v5 =	vadd.f32 v6, v5  }
0xe4: {  	v6 =	vld [tilespmem:$0x1C00]  }
0xe5: {  	[tilespmem:s7+$0xFFFFFF80] =	vst v5  }
0xe6: {  	v5 =	vld.idx.msk [tilespmem:v1+s3+$0xFFFFFFC0 ss:$0x1], $0xffff;
	_ =	sdelay $0x2  }
0xe7: {  	v6 =	vadd.f32 v6, v4;
	_ =	sdelay $0x2  }
0xe8: {  	v5 =	vadd.f32 v5, v6;
	_ =	sdelay $0x1  }
0xe9: {  	[tilespmem:s7+$0x0] =	vst v5  }
0xea: {  	v5 =	vld [tilespmem:$0x1B90]  }
0xeb: {  	v6 =	vld.idx.msk [tilespmem:v0+s3+$0xFFFFFFD0 ss:$0x1], $0xffff;
	_ =	sdelay $0x3  }
0xec: {  	v5 =	vadd.f32 v5, v4;
	_ =	sdelay $0x1  }
0xed: {  	v5 =	vadd.f32 v6, v5  }
0xee: {  	v6 =	vld [tilespmem:$0x1C10]  }
0xef: {  	[tilespmem:s7+$0xFFFFFF90] =	vst v5  }
0xf0: {  	v5 =	vld.idx.msk [tilespmem:v1+s3+$0xFFFFFFD0 ss:$0x1], $0xffff;
	_ =	sdelay $0x2  }
0xf1: {  	v6 =	vadd.f32 v6, v4;
	_ =	sdelay $0x2  }
0xf2: {  	v5 =	vadd.f32 v5, v6;
	_ =	sdelay $0x1  }
0xf3: {  	[tilespmem:s7+$0x10] =	vst v5  }
0xf4: {  	v5 =	vld [tilespmem:$0x1BA0]  }
0xf5: {  	v6 =	vld.idx.msk [tilespmem:v0+s3+$0xFFFFFFE0 ss:$0x1], $0xffff;
	_ =	sdelay $0x3  }
0xf6: {  	v5 =	vadd.f32 v5, v4;
	_ =	sdelay $0x1  }
0xf7: {  	v5 =	vadd.f32 v6, v5  }
0xf8: {  	v6 =	vld [tilespmem:$0x1C20]  }
0xf9: {  	[tilespmem:s7+$0xFFFFFFA0] =	vst v5  }
0xfa: {  	v5 =	vld.idx.msk [tilespmem:v1+s3+$0xFFFFFFE0 ss:$0x1], $0xffff;
	_ =	sdelay $0x2  }
0xfb: {  	v6 =	vadd.f32 v6, v4;
	_ =	sdelay $0x2  }
0xfc: {  	v5 =	vadd.f32 v5, v6;
	_ =	sdelay $0x1  }
0xfd: {  	[tilespmem:s7+$0x20] =	vst v5  }
0xfe: {  	v5 =	vld [tilespmem:$0x1BB0]  }
0xff: {  	v6 =	vld.idx.msk [tilespmem:v0+s3+$0xFFFFFFF0 ss:$0x1], $0xffff;
	_ =	sdelay $0x3  }
0x100: {  	v5 =	vadd.f32 v5, v4;
	_ =	sdelay $0x1  }
0x101: {  	v5 =	vadd.f32 v6, v5  }
0x102: {  	v6 =	vld [tilespmem:$0x1C30]  }
0x103: {  	[tilespmem:s7+$0xFFFFFFB0] =	vst v5  }
0x104: {  	v5 =	vld.idx.msk [tilespmem:v1+s3+$0xFFFFFFF0 ss:$0x1], $0xffff;
	_ =	sdelay $0x2  }
0x105: {  	v6 =	vadd.f32 v6, v4;
	_ =	sdelay $0x2  }
0x106: {  	v5 =	vadd.f32 v5, v6;
	_ =	sdelay $0x1  }
0x107: {  	[tilespmem:s7+$0x30] =	vst v5  }
0x108: {  	v5 =	vld [tilespmem:$0x1BC0]  }
0x109: {  	v6 =	vld.idx.msk [tilespmem:v0+s3+$0x0 ss:$0x1], $0xffff;
	_ =	sdelay $0x3  }
0x10a: {  	v5 =	vadd.f32 v5, v4;
	_ =	sdelay $0x1  }
0x10b: {  	v5 =	vadd.f32 v6, v5  }
0x10c: {  	v6 =	vld [tilespmem:$0x1C40]  }
0x10d: {  	[tilespmem:s7+$0xFFFFFFC0] =	vst v5  }
0x10e: {  	v5 =	vld.idx.msk [tilespmem:v1+s3+$0x0 ss:$0x1], $0xffff;
	_ =	sdelay $0x2  }
0x10f: {  	v6 =	vadd.f32 v6, v4;
	_ =	sdelay $0x2  }
0x110: {  	v5 =	vadd.f32 v5, v6;
	_ =	sdelay $0x1  }
0x111: {  	[tilespmem:s7+$0x40] =	vst v5  }
0x112: {  	v5 =	vld [tilespmem:$0x1BD0]  }
0x113: {  	v6 =	vld.idx.msk [tilespmem:v0+s3+$0x10 ss:$0x1], $0xffff  }
0x114: {  	v7 =	vld [tilespmem:$0x1C50];
	_ =	sdelay $0x2  }
0x115: {  	v5 =	vadd.f32 v5, v4;
	_ =	sdelay $0x1  }
0x116: {  	v5 =	vadd.f32 v6, v5;
	v6 =	vadd.f32 v7, v4;
	_ =	sdelay $0x1  }
0x117: {  	[tilespmem:s7+$0xFFFFFFD0] =	vst v5  }
0x118: {  	v5 =	vld.idx.msk [tilespmem:v1+s3+$0x10 ss:$0x1], $0xffff;
	_ =	sdelay $0x5  }
0x119: {  	v5 =	vadd.f32 v5, v6;
	_ =	sdelay $0x1  }
0x11a: {  	[tilespmem:s7+$0x50] =	vst v5  }
0x11b: {  	v5 =	vld [tilespmem:$0x1BE0]  }
0x11c: {  	v6 =	vld.idx.msk [tilespmem:v0+s3+$0x20 ss:$0x1], $0xffff  }
0x11d: {  	v7 =	vld [tilespmem:$0x1C60];
	_ =	sdelay $0x2  }
0x11e: {  	v5 =	vadd.f32 v5, v4;
	_ =	sdelay $0x1  }
0x11f: {  	v5 =	vadd.f32 v6, v5;
	v6 =	vadd.f32 v7, v4;
	_ =	sdelay $0x1  }
0x120: {  	[tilespmem:s7+$0xFFFFFFE0] =	vst v5  }
0x121: {  	v5 =	vld.idx.msk [tilespmem:v1+s3+$0x20 ss:$0x1], $0xffff;
	_ =	sdelay $0x5  }
0x122: {  	v5 =	vadd.f32 v5, v6;
	_ =	sdelay $0x1  }
0x123: {  	[tilespmem:s7+$0x60] =	vst v5  }
0x124: {  	v5 =	vld [tilespmem:$0x1BF0]  }
0x125: {  	v6 =	vld.idx.msk [tilespmem:v0+s3+$0x30 ss:$0x1], $0xffff  }
0x126: {  	v7 =	vld [tilespmem:$0x1C70];
	_ =	sdelay $0x2  }
0x127: {  	v5 =	vadd.f32 v5, v4;
	_ =	sdelay $0x1  }
0x128: {  	v5 =	vadd.f32 v6, v5;
	v6 =	vadd.f32 v7, v4;
	_ =	sdelay $0x1  }
0x129: {  	[tilespmem:s7+$0xFFFFFFF0] =	vst v5  }
0x12a: {  	v5 =	vld.idx.msk [tilespmem:v1+s3+$0x30 ss:$0x1], $0xffff;
	_ =	sdelay $0x1  }
.Ltmp2:
0x12b: {  	(pc) =	sbr.rel @p0 .LBB2_6-.Ltmp2, $3  }
0x12c: {  	s2 =	sadd.s32 $0x1, s2  }
0x12d: {  	v4 =	vmov s2;
	_ =	sdelay $0x1  }
0x12e: {  	v5 =	vadd.f32 v5, v6  }
0x12f: {  	_ =	sdelay $0x2  }
0x130: {  	[tilespmem:s7+$0x70] =	vst v5  }
0x131: {  	v4 =	vld.idx.msk [tilespmem:v4+s30+$0x0], $0xffff  }
0x132: {  	v5 =	vld [tilespmem:$0x1B80]  }
0x133: {  	s0 =	sshra.s32 s0, $0x2  }
0x134: {  	v6 =	vld.idx.msk [tilespmem:v0+s0+$0xFFFFFFC0 ss:$0x1], $0xffff;
	_ =	sdelay $0x2  }
0x135: {  	v5 =	vadd.f32 v5, v4;
	_ =	sdelay $0x1  }
0x136: {  	v5 =	vadd.f32 v6, v5  }
0x137: {  	s2 =	sadd.s32 $0x100, s7;
	v49 =	vld [tilespmem:$0x1C00]  }
0x138: {  	[tilespmem:s2+$0xFFFFFF80] =	vst v5  }
0x139: {  	v5 =	vld.idx.msk [tilespmem:v1+s0+$0xFFFFFFC0 ss:$0x1], $0xffff;
	_ =	sdelay $0x2  }
0x13a: {  	v6 =	vadd.f32 v49, v4;
	_ =	sdelay $0x1  }
0x13b: {  	v5 =	vadd.f32 v5, v6;
	_ =	sdelay $0x1  }
0x13c: {  	[tilespmem:s2+$0x0] =	vst v5  }
0x13d: {  	v5 =	vld [tilespmem:$0x1B90];
	_ =	sdelay $0x1  }
0x13e: {  	v50 =	vld.idx.msk [tilespmem:v0+s0+$0xFFFFFFD0 ss:$0x1], $0xffff;
	_ =	sdelay $0x2  }
0x13f: {  	v5 =	vadd.f32 v5, v4;
	_ =	sdelay $0x1  }
0x140: {  	v5 =	vadd.f32 v50, v5  }
0x141: {  	v51 =	vld [tilespmem:$0x1C10]  }
0x142: {  	[tilespmem:s2+$0xFFFFFF90] =	vst v5  }
0x143: {  	v5 =	vld.idx.msk [tilespmem:v1+s0+$0xFFFFFFD0 ss:$0x1], $0xffff;
	_ =	sdelay $0x2  }
0x144: {  	v6 =	vadd.f32 v51, v4;
	_ =	sdelay $0x1  }
0x145: {  	v5 =	vadd.f32 v5, v6;
	_ =	sdelay $0x1  }
0x146: {  	[tilespmem:s2+$0x10] =	vst v5  }
0x147: {  	v5 =	vld [tilespmem:$0x1BA0];
	_ =	sdelay $0x1  }
0x148: {  	v52 =	vld.idx.msk [tilespmem:v0+s0+$0xFFFFFFE0 ss:$0x1], $0xffff;
	_ =	sdelay $0x2  }
0x149: {  	v5 =	vadd.f32 v5, v4;
	_ =	sdelay $0x1  }
0x14a: {  	v5 =	vadd.f32 v52, v5  }
0x14b: {  	v53 =	vld [tilespmem:$0x1C20]  }
0x14c: {  	[tilespmem:s2+$0xFFFFFFA0] =	vst v5  }
0x14d: {  	v5 =	vld.idx.msk [tilespmem:v1+s0+$0xFFFFFFE0 ss:$0x1], $0xffff;
	_ =	sdelay $0x2  }
0x14e: {  	v6 =	vadd.f32 v53, v4;
	_ =	sdelay $0x1  }
0x14f: {  	v5 =	vadd.f32 v5, v6;
	_ =	sdelay $0x1  }
0x150: {  	[tilespmem:s2+$0x20] =	vst v5  }
0x151: {  	v5 =	vld [tilespmem:$0x1BB0];
	_ =	sdelay $0x1  }
0x152: {  	v54 =	vld.idx.msk [tilespmem:v0+s0+$0xFFFFFFF0 ss:$0x1], $0xffff;
	_ =	sdelay $0x2  }
0x153: {  	v5 =	vadd.f32 v5, v4;
	_ =	sdelay $0x1  }
0x154: {  	v5 =	vadd.f32 v54, v5  }
0x155: {  	v55 =	vld [tilespmem:$0x1C30]  }
0x156: {  	[tilespmem:s2+$0xFFFFFFB0] =	vst v5  }
0x157: {  	v5 =	vld.idx.msk [tilespmem:v1+s0+$0xFFFFFFF0 ss:$0x1], $0xffff;
	_ =	sdelay $0x2  }
0x158: {  	v6 =	vadd.f32 v55, v4;
	_ =	sdelay $0x1  }
0x159: {  	v5 =	vadd.f32 v5, v6;
	_ =	sdelay $0x1  }
0x15a: {  	[tilespmem:s2+$0x30] =	vst v5  }
0x15b: {  	v5 =	vld [tilespmem:$0x1BC0];
	_ =	sdelay $0x1  }
0x15c: {  	v56 =	vld.idx.msk [tilespmem:v0+s0+$0x0 ss:$0x1], $0xffff;
	_ =	sdelay $0x2  }
0x15d: {  	v5 =	vadd.f32 v5, v4;
	_ =	sdelay $0x1  }
0x15e: {  	v5 =	vadd.f32 v56, v5  }
0x15f: {  	v57 =	vld [tilespmem:$0x1C40]  }
0x160: {  	[tilespmem:s2+$0xFFFFFFC0] =	vst v5  }
0x161: {  	v5 =	vld.idx.msk [tilespmem:v1+s0+$0x0 ss:$0x1], $0xffff;
	_ =	sdelay $0x2  }
0x162: {  	v6 =	vadd.f32 v57, v4;
	_ =	sdelay $0x1  }
0x163: {  	v5 =	vadd.f32 v5, v6;
	_ =	sdelay $0x1  }
0x164: {  	[tilespmem:s2+$0x40] =	vst v5  }
0x165: {  	v5 =	vld [tilespmem:$0x1BD0];
	_ =	sdelay $0x1  }
0x166: {  	v58 =	vld.idx.msk [tilespmem:v0+s0+$0x10 ss:$0x1], $0xffff;
	_ =	sdelay $0x2  }
0x167: {  	v5 =	vadd.f32 v5, v4;
	_ =	sdelay $0x1  }
0x168: {  	v5 =	vadd.f32 v58, v5  }
0x169: {  	v59 =	vld [tilespmem:$0x1C50]  }
0x16a: {  	[tilespmem:s2+$0xFFFFFFD0] =	vst v5  }
0x16b: {  	v5 =	vld.idx.msk [tilespmem:v1+s0+$0x10 ss:$0x1], $0xffff;
	_ =	sdelay $0x2  }
0x16c: {  	v6 =	vadd.f32 v59, v4;
	_ =	sdelay $0x1  }
0x16d: {  	v5 =	vadd.f32 v5, v6;
	_ =	sdelay $0x1  }
0x16e: {  	[tilespmem:s2+$0x50] =	vst v5  }
0x16f: {  	v5 =	vld [tilespmem:$0x1BE0];
	_ =	sdelay $0x1  }
0x170: {  	v60 =	vld.idx.msk [tilespmem:v0+s0+$0x20 ss:$0x1], $0xffff;
	_ =	sdelay $0x2  }
0x171: {  	v5 =	vadd.f32 v5, v4;
	_ =	sdelay $0x1  }
0x172: {  	v5 =	vadd.f32 v60, v5  }
0x173: {  	v61 =	vld [tilespmem:$0x1C60]  }
0x174: {  	[tilespmem:s2+$0xFFFFFFE0] =	vst v5  }
0x175: {  	v5 =	vld.idx.msk [tilespmem:v1+s0+$0x20 ss:$0x1], $0xffff;
	_ =	sdelay $0x2  }
0x176: {  	v6 =	vadd.f32 v61, v4;
	_ =	sdelay $0x1  }
0x177: {  	v5 =	vadd.f32 v5, v6;
	_ =	sdelay $0x1  }
0x178: {  	[tilespmem:s2+$0x60] =	vst v5  }
0x179: {  	v5 =	vld [tilespmem:$0x1BF0];
	_ =	sdelay $0x1  }
0x17a: {  	v62 =	vld.idx.msk [tilespmem:v0+s0+$0x30 ss:$0x1], $0xffff;
	_ =	sdelay $0x2  }
0x17b: {  	v5 =	vadd.f32 v5, v4;
	_ =	sdelay $0x1  }
0x17c: {  	v5 =	vadd.f32 v62, v5  }
0x17d: {  	v63 =	vld [tilespmem:$0x1C70]  }
0x17e: {  	[tilespmem:s2+$0xFFFFFFF0] =	vst v5  }
0x17f: {  	v5 =	vld.idx.msk [tilespmem:v1+s0+$0x30 ss:$0x1], $0xffff;
	_ =	sdelay $0x2  }
0x180: {  	v4 =	vadd.f32 v63, v4;
	_ =	sdelay $0x1  }
0x181: {  	s1 =	sadd.s32 $0x1, s1;
	v4 =	vadd.f32 v5, v4  }
0x182: {  	p0 =	sne.s32 s1, s14  }
.Ltmp3:
0x183: {  	[tilespmem:s2+$0x70] =	vst v4;
	(pc) =	sbr.rel @p0 .LBB2_1-.Ltmp3, $4  }
0x184: {  	[hbm4b:s13+s6] =	stream.linear.scatter [tilespmem:s31], [sflag:$0x3], $0x800, $0x38;
	[tilespmem:$0x2510] =	vst v63  }
0x185: {  	_ =	swait.ge [sflag:s28], $0x800  }
0x186: {  	[sflag:s28] =	ssyncset.done $0x0  }
0x187: {  	[sflag:s28] =	ssyncadd.s32 $0xFFFFF800  }
0x188: {  	_ =	sfence.sel $0x180000  }
0x189: {  	[bflag:$0x0] =	sbarrier.arrive $0xFFFF  }
0x18a: {  	_ =	strace $0x90000047  }
0x18b: {  	s0 =	stileid.u32;
	[bflag:$0x2] =	sbarrier.arrive $0xFFFF  }
0x18c: {  	p0 =	sne.s32 s0, $0x0;
	s0 =	rddreg [dreg:$0x8]  }
0x18d: {  	s0 =	sadd.s32 @!p0 $0x100000, s0  }
0x18e: {  	[sflag:s0] =	ssyncadd.tile.s32 @!p0 $0x1;
	_ =	shalt  }
.Lfunc_end2:
_tile_overlayer_lowered:
.L_overlay_start_2:
0x18f: {  	(tag) =	ssettag $0x2  }
0x190: {  	s0 =	rddreg [dreg:$0x0];
	s2 =	stileid.u32  }
0x191: {  	s1 =	rddreg [dreg:$0x1];
	p0 =	sne.s32 s2, $0x0  }
0x192: {  	s3 =	rddreg [dreg:$0x2];
	[bflag:$0x3] =	sbarrier.arrive $0xFFFF;
	s2 =	simm.s32 @!p0 $0x1C03  }
0x193: {  	[timem:s3], [sflag:s2] =	dma.local @!p0 [hbm:s0], s1  }
0x194: {  	s0 =	simm.s32 @!p0 $0x3  }
0x195: {  	_ =	swait.ge @!p0 [sflag:s0], s1  }
0x196: {  	s1 =	ssub.s32 @!p0 $0x0, s1;
	[sflag:s0] =	ssyncset.done @!p0 $0x0  }
0x197: {  	[sflag:s0] =	ssyncadd.s32 @!p0 s1  }
0x198: {  	[bflag:$0x3] =	sbarrier.arrive $0xFFFF  }
0x199: {  	_ =	shalt  }

</sc_bundles>
